<compile_context>
chip_gen: v7x
topology: tpu7x:2x2x1
jax: 0.10.2.dev20260603
libtpu: 0.0.44.dev20260713+nightly
codegen_flags: <defaults>
</compile_context>

<pallas_src>
import functools

import jax
import jax.numpy as jnp
from jax import lax
from jax.experimental import pallas as pl
from jax.experimental.pallas import tpu as pltpu
from jax.experimental.pallas import tpu_sc as plsc

_NC, _NS = 2, 16
_NW = _NC * _NS
_GSZ = 128
_L = 16


@functools.lru_cache(maxsize=None)
def _make_gather(n_rows: int, feat: int):
    assert n_rows % (_NW * _GSZ) == 0
    n_groups = n_rows // _GSZ
    groups_per_w = n_groups // _NW
    rows_per_w = groups_per_w * _GSZ
    mesh = plsc.VectorSubcoreMesh(core_axis_name="c", subcore_axis_name="s")

    K = 4
    S = groups_per_w // K
    assert groups_per_w % K == 0 and S % 2 == 0

    @functools.partial(
        pl.kernel,
        out_type=jax.ShapeDtypeStruct((n_rows, feat), jnp.float32),
        mesh=mesh,
        scratch_types=[
            pltpu.VMEM((rows_per_w,), jnp.int32),
            pltpu.VMEM((rows_per_w,), jnp.int32),
            pltpu.VMEM((rows_per_w,), jnp.int32),
            pltpu.VMEM((K * _GSZ, feat), jnp.float32),
            pltpu.VMEM((K * _GSZ, feat), jnp.float32),
            pltpu.SemaphoreType.DMA,
            pltpu.SemaphoreType.DMA,
            pltpu.SemaphoreType.DMA,
        ],
        compiler_params=pltpu.CompilerParams(use_tc_tiling_on_sc=False,
                                             needs_layout_passes=False),
    )
    def gather_kernel(table_hbm, idx_hbm, perm_hbm, out_hbm,
                      idx_raw, perm_v, idx_v, rows_a, rows_b,
                      gsem, wsem_a, wsem_b):
        wid = lax.axis_index("s") * _NC + lax.axis_index("c")
        base = wid * rows_per_w
        pltpu.sync_copy(idx_hbm.at[pl.ds(base, rows_per_w)], idx_raw)
        pltpu.sync_copy(perm_hbm, perm_v)

        @pl.loop(0, rows_per_w // _L, unroll=4)
        def _(t):
            pv = perm_v[pl.ds(t * _L, _L)]
            idx_v[pl.ds(t * _L, _L)] = plsc.load_gather(idx_raw, [pv])

        def fire_gathers(buf, ss):
            for t in range(K):
                pltpu.async_copy(
                    table_hbm.at[idx_v.at[pl.ds((ss * K + t) * _GSZ, _GSZ)]],
                    buf.at[pl.ds(t * _GSZ, _GSZ)], gsem)

        def out_slice(ss):
            return out_hbm.at[pl.ds(base + ss * K * _GSZ, K * _GSZ)]

        fire_gathers(rows_a, 0)

        @pl.loop(0, S, step=2)
        def _(s):
            for cur, nxt, wsem_cur, wsem_nxt, off in (
                    (rows_a, rows_b, wsem_a, wsem_b, 0),
                    (rows_b, rows_a, wsem_b, wsem_a, 1)):
                ss = s + off
                for t in range(K):
                    pltpu.make_async_copy(
                        table_hbm.at[idx_v.at[pl.ds((ss * K + t) * _GSZ,
                                                    _GSZ)]],
                        cur.at[pl.ds(t * _GSZ, _GSZ)], gsem).wait()
                @pl.when(ss + 1 < S)
                def _():
                    @pl.when(ss >= 1)
                    def _():
                        pltpu.make_async_copy(nxt, out_slice(ss - 1),
                                              wsem_nxt).wait()
                    fire_gathers(nxt, ss + 1)
                pltpu.async_copy(cur, out_slice(ss), wsem_cur)

        pltpu.make_async_copy(rows_a, out_slice(S - 2), wsem_a).wait()
        pltpu.make_async_copy(rows_b, out_slice(S - 1), wsem_b).wait()

    return gather_kernel


def kernel(image, W):
    B, A = image.shape
    V, F = W.shape
    n_rows = B * A
    idx = image.reshape(-1).astype(jnp.int32)
    TA = (A * F) // 128
    PAIR = 128 // F
    rows_per_w = n_rows // _NW
    IB = rows_per_w // (8 * A)
    perm = (jnp.arange(rows_per_w, dtype=jnp.int32)
            .reshape(IB, 8, TA, PAIR)
            .transpose(0, 2, 1, 3)
            .reshape(-1))
    rows = _make_gather(n_rows, F)(W, idx, perm)
    TB = B // 8
    out = (rows.reshape(TB, TA, 8, 128)
           .transpose(0, 2, 1, 3)
           .reshape(B, A * F))
    return out

# --- scband reference (transcript-rebuilt; emitter-appended) ---
"""Pipeline reference for scband-img-net-32409823216371 (READ-ONLY COPY).

The authoritative reference and input builder live on the scoring server;
editing this copy changes nothing except your own understanding.
"""

import jax, jax.numpy as jnp
import numpy as np
import math

VOCAB = 1000000
FEAT = 64
BATCH = 16384
ATTRS = 26

def setup_inputs(seed: int = 0) -> dict:
    key = jax.random.key(seed)
    k_idx, k_w = jax.random.split(key)
    image = jax.random.randint(k_idx, (BATCH, ATTRS), 0, VOCAB, dtype=jnp.int64 if jax.config.jax_enable_x64 else jnp.int32)
    # Xavier init for embedding table: normal(0, sqrt(2/(fan_in+fan_out)))
    std = math.sqrt(2.0 / (VOCAB + FEAT))
    W = jax.random.normal(k_w, (VOCAB, FEAT), dtype=jnp.float32) * std
    return {"image": image, "W": W}

def reference(image, W):
    # embeds = Embedding(image): [B, A, F]
    embeds = jnp.take(W, image, axis=0)
    B, A, F = embeds.shape
    # torch.cat(embeds.transpose(0,1), 1) == concat over attribute dim -> [B, A*F]
    features = embeds.reshape(B, A * F)
    return features

if __name__ == "__main__":
    import jax
    _d = setup_inputs()
    print(jax.jit(kernel)(*tuple(_d.values())))

</pallas_src>

<mosaic_0001>
#map = affine_map<(d0, d1) -> (0, 0)>
#map1 = affine_map<(d0, d1) -> (0)>
module attributes {stable_mosaic.version = 14 : i64} {
  func.func @gather_kernel(%arg0: i32, %arg1: i32, %arg2: memref<1000000x64xf32, #tpu.memory_space<hbm>>, %arg3: memref<425984xi32, #tpu.memory_space<hbm>>, %arg4: memref<13312xi32, #tpu.memory_space<hbm>>, %arg5: memref<425984x64xf32, #tpu.memory_space<hbm>>, %arg6: memref<13312xi32, #tpu.memory_space<vmem>>, %arg7: memref<13312xi32, #tpu.memory_space<vmem>>, %arg8: memref<13312xi32, #tpu.memory_space<vmem>>, %arg9: memref<512x64xf32, #tpu.memory_space<vmem>>, %arg10: memref<512x64xf32, #tpu.memory_space<vmem>>, %arg11: memref<!tpu.dma_semaphore, #tpu.memory_space<semaphore_mem>>, %arg12: memref<!tpu.dma_semaphore, #tpu.memory_space<semaphore_mem>>, %arg13: memref<!tpu.dma_semaphore, #tpu.memory_space<semaphore_mem>>) attributes {dimension_semantics = [#tpu.dimension_semantics<core_parallel>, #tpu.dimension_semantics<subcore_parallel>], iteration_bounds = array<i64: 2, 16>, scalar_prefetch = 0 : i64, scratch_operands = 8 : i64, tpu.core_type = #tpu.core_type<sc_vector_subcore>, window_params = [{transform_indices = #map}, {transform_indices = #map1}, {transform_indices = #map1}, {transform_indices = #map}]} {
    %mul3A = arith.constant 2 : i32
    %mul3A_0 = arith.muli %arg1, %mul3A : i32
    %add3A = arith.addi %mul3A_0, %arg0 : i32
    %mul3A_1 = arith.constant 13312 : i32
    %mul3A_2 = arith.muli %add3A, %mul3A_1 : i32
    "tpu.region"() ({
      %run_scoped3A = tpu.sem_alloc : memref<!tpu.dma_semaphore, #tpu.memory_space<semaphore_mem>>
      %dma_start3A_54 = tpu.memref_slice %arg3[%mul3A_2] : memref<425984xi32, #tpu.memory_space<hbm>> -> memref<13312xi32, #tpu.memory_space<hbm>>
      %dma_start3A_55 = tpu.memref_slice %arg3[%mul3A_2] : memref<425984xi32, #tpu.memory_space<hbm>> -> memref<13312xi32, #tpu.memory_space<hbm>>
      tpu.enqueue_dma source(%dma_start3A_55 : memref<13312xi32, #tpu.memory_space<hbm>>) target(%arg6 : memref<13312xi32, #tpu.memory_space<vmem>>) target_semaphore(%run_scoped3A : memref<!tpu.dma_semaphore, #tpu.memory_space<semaphore_mem>>)
      %dma_wait3A_56 = tpu.memref_slice %arg3[%mul3A_2] : memref<425984xi32, #tpu.memory_space<hbm>> -> memref<13312xi32, #tpu.memory_space<hbm>>
      %dma_wait3A_57 = tpu.memref_slice %arg3[%mul3A_2] : memref<425984xi32, #tpu.memory_space<hbm>> -> memref<13312xi32, #tpu.memory_space<hbm>>
      tpu.wait_dma2 semaphore(%run_scoped3A : memref<!tpu.dma_semaphore, #tpu.memory_space<semaphore_mem>>) src(%dma_wait3A_57 : memref<13312xi32, #tpu.memory_space<hbm>>) dst(%arg6 : memref<13312xi32, #tpu.memory_space<vmem>>)
      tpu.yield
    }) : () -> ()
    "tpu.region"() ({
      %run_scoped3A = tpu.sem_alloc : memref<!tpu.dma_semaphore, #tpu.memory_space<semaphore_mem>>
      tpu.enqueue_dma source(%arg4 : memref<13312xi32, #tpu.memory_space<hbm>>) target(%arg7 : memref<13312xi32, #tpu.memory_space<vmem>>) target_semaphore(%run_scoped3A : memref<!tpu.dma_semaphore, #tpu.memory_space<semaphore_mem>>)
      tpu.wait_dma2 semaphore(%run_scoped3A : memref<!tpu.dma_semaphore, #tpu.memory_space<semaphore_mem>>) src(%arg4 : memref<13312xi32, #tpu.memory_space<hbm>>) dst(%arg7 : memref<13312xi32, #tpu.memory_space<vmem>>)
      tpu.yield
    }) : () -> ()
    %scan3A = arith.constant 0 : i32
    %scan3A_3 = arith.constant 832 : i32
    %scan3A_4 = arith.addi %scan3A, %scan3A_3 : i32
    %scan3A_5 = arith.constant 4 : i32
    scf.for %scan3A_54 = %scan3A to %scan3A_4 step %scan3A_5  : i32 {
      %mul3A_55 = arith.constant 1 : i32
      %mul3A_56 = arith.muli %scan3A_54, %mul3A_55 : i32
      %add3A_57 = arith.constant 0 : i32
      %add3A_58 = arith.addi %add3A_57, %mul3A_56 : i32
      %mul3A_59 = arith.constant 16 : i32
      %mul3A_60 = arith.muli %add3A_58, %mul3A_59 : i32
      %get3A = arith.index_cast %mul3A_60 : i32 to index
      %get3A_61 = tpu.vector_load %arg7[%get3A] {strides = array<i32>} : memref<13312xi32, #tpu.memory_space<vmem>>, vector<16xi32>,
      %gather3A = tpu.vector_load_idx %arg6[%get3A_61] : memref<13312xi32, #tpu.memory_space<vmem>>[vector<16xi32>], vector<16xi32>,
      %mul3A_62 = arith.constant 16 : i32
      %mul3A_63 = arith.muli %add3A_58, %mul3A_62 : i32
      %swap3A = arith.index_cast %mul3A_63 : i32 to index
      %swap3A_64 = tpu.vector_load %arg8[%swap3A] {strides = array<i32>} : memref<13312xi32, #tpu.memory_space<vmem>>, vector<16xi32>,
      tpu.vector_store %arg8[%swap3A], %gather3A {strides = array<i32>} : memref<13312xi32, #tpu.memory_space<vmem>>, vector<16xi32>,
      %scan3A_65 = arith.constant 1 : i32
      %scan3A_66 = arith.addi %scan3A_54, %scan3A_65 : i32
      %mul3A_67 = arith.constant 1 : i32
      %mul3A_68 = arith.muli %scan3A_66, %mul3A_67 : i32
      %add3A_69 = arith.constant 0 : i32
      %add3A_70 = arith.addi %add3A_69, %mul3A_68 : i32
      %mul3A_71 = arith.constant 16 : i32
      %mul3A_72 = arith.muli %add3A_70, %mul3A_71 : i32
      %get3A_73 = arith.index_cast %mul3A_72 : i32 to index
      %get3A_74 = tpu.vector_load %arg7[%get3A_73] {strides = array<i32>} : memref<13312xi32, #tpu.memory_space<vmem>>, vector<16xi32>,
      %gather3A_75 = tpu.vector_load_idx %arg6[%get3A_74] : memref<13312xi32, #tpu.memory_space<vmem>>[vector<16xi32>], vector<16xi32>,
      %mul3A_76 = arith.constant 16 : i32
      %mul3A_77 = arith.muli %add3A_70, %mul3A_76 : i32
      %swap3A_78 = arith.index_cast %mul3A_77 : i32 to index
      %swap3A_79 = tpu.vector_load %arg8[%swap3A_78] {strides = array<i32>} : memref<13312xi32, #tpu.memory_space<vmem>>, vector<16xi32>,
      tpu.vector_store %arg8[%swap3A_78], %gather3A_75 {strides = array<i32>} : memref<13312xi32, #tpu.memory_space<vmem>>, vector<16xi32>,
      %scan3A_80 = arith.constant 2 : i32
      %scan3A_81 = arith.addi %scan3A_54, %scan3A_80 : i32
      %mul3A_82 = arith.constant 1 : i32
      %mul3A_83 = arith.muli %scan3A_81, %mul3A_82 : i32
      %add3A_84 = arith.constant 0 : i32
      %add3A_85 = arith.addi %add3A_84, %mul3A_83 : i32
      %mul3A_86 = arith.constant 16 : i32
      %mul3A_87 = arith.muli %add3A_85, %mul3A_86 : i32
      %get3A_88 = arith.index_cast %mul3A_87 : i32 to index
      %get3A_89 = tpu.vector_load %arg7[%get3A_88] {strides = array<i32>} : memref<13312xi32, #tpu.memory_space<vmem>>, vector<16xi32>,
      %gather3A_90 = tpu.vector_load_idx %arg6[%get3A_89] : memref<13312xi32, #tpu.memory_space<vmem>>[vector<16xi32>], vector<16xi32>,
      %mul3A_91 = arith.constant 16 : i32
      %mul3A_92 = arith.muli %add3A_85, %mul3A_91 : i32
      %swap3A_93 = arith.index_cast %mul3A_92 : i32 to index
      %swap3A_94 = tpu.vector_load %arg8[%swap3A_93] {strides = array<i32>} : memref<13312xi32, #tpu.memory_space<vmem>>, vector<16xi32>,
      tpu.vector_store %arg8[%swap3A_93], %gather3A_90 {strides = array<i32>} : memref<13312xi32, #tpu.memory_space<vmem>>, vector<16xi32>,
      %scan3A_95 = arith.constant 3 : i32
      %scan3A_96 = arith.addi %scan3A_54, %scan3A_95 : i32
      %mul3A_97 = arith.constant 1 : i32
      %mul3A_98 = arith.muli %scan3A_96, %mul3A_97 : i32
      %add3A_99 = arith.constant 0 : i32
      %add3A_100 = arith.addi %add3A_99, %mul3A_98 : i32
      %mul3A_101 = arith.constant 16 : i32
      %mul3A_102 = arith.muli %add3A_100, %mul3A_101 : i32
      %get3A_103 = arith.index_cast %mul3A_102 : i32 to index
      %get3A_104 = tpu.vector_load %arg7[%get3A_103] {strides = array<i32>} : memref<13312xi32, #tpu.memory_space<vmem>>, vector<16xi32>,
      %gather3A_105 = tpu.vector_load_idx %arg6[%get3A_104] : memref<13312xi32, #tpu.memory_space<vmem>>[vector<16xi32>], vector<16xi32>,
      %mul3A_106 = arith.constant 16 : i32
      %mul3A_107 = arith.muli %add3A_100, %mul3A_106 : i32
      %swap3A_108 = arith.index_cast %mul3A_107 : i32 to index
      %swap3A_109 = tpu.vector_load %arg8[%swap3A_108] {strides = array<i32>} : memref<13312xi32, #tpu.memory_space<vmem>>, vector<16xi32>,
      tpu.vector_store %arg8[%swap3A_108], %gather3A_105 {strides = array<i32>} : memref<13312xi32, #tpu.memory_space<vmem>>, vector<16xi32>,
    }
    %scan3A_6 = arith.constant 832 : i32
    %dma_start3A = arith.constant 0 : i32
    %dma_start3A_7 = arith.constant 0 : i32
    %dma_start3A_8 = tpu.memref_slice %arg9[%dma_start3A, %dma_start3A_7] : memref<512x64xf32, #tpu.memory_space<vmem>> -> memref<128x64xf32, #tpu.memory_space<vmem>>
    %dma_start3A_9 = arith.constant 0 : i32
    %dma_start3A_10 = tpu.memref_slice %arg8[%dma_start3A_9] : memref<13312xi32, #tpu.memory_space<vmem>> -> memref<128xi32, #tpu.memory_space<vmem>>
    %dma_start3A_11 = arith.constant 0 : i32
    %dma_start3A_12 = arith.constant 0 : i32
    %dma_start3A_13 = tpu.memref_slice %arg2[%dma_start3A_11, %dma_start3A_12] : memref<1000000x64xf32, #tpu.memory_space<hbm>> -> memref<1000000x64xf32, #tpu.memory_space<hbm>>
    tpu.enqueue_indirect_dma source(%dma_start3A_13 : memref<1000000x64xf32, #tpu.memory_space<hbm>>) target(%dma_start3A_8 : memref<128x64xf32, #tpu.memory_space<vmem>>) offsets(%dma_start3A_10 : memref<128xi32, #tpu.memory_space<vmem>>) semaphore(%arg11 : memref<!tpu.dma_semaphore, #tpu.memory_space<semaphore_mem>>)
    %dma_start3A_14 = arith.constant 128 : i32
    %dma_start3A_15 = arith.constant 0 : i32
    %dma_start3A_16 = tpu.memref_slice %arg9[%dma_start3A_14, %dma_start3A_15] : memref<512x64xf32, #tpu.memory_space<vmem>> -> memref<128x64xf32, #tpu.memory_space<vmem>>
    %dma_start3A_17 = arith.constant 128 : i32
    %dma_start3A_18 = tpu.memref_slice %arg8[%dma_start3A_17] : memref<13312xi32, #tpu.memory_space<vmem>> -> memref<128xi32, #tpu.memory_space<vmem>>
    %dma_start3A_19 = arith.constant 0 : i32
    %dma_start3A_20 = arith.constant 0 : i32
    %dma_start3A_21 = tpu.memref_slice %arg2[%dma_start3A_19, %dma_start3A_20] : memref<1000000x64xf32, #tpu.memory_space<hbm>> -> memref<1000000x64xf32, #tpu.memory_space<hbm>>
    tpu.enqueue_indirect_dma source(%dma_start3A_21 : memref<1000000x64xf32, #tpu.memory_space<hbm>>) target(%dma_start3A_16 : memref<128x64xf32, #tpu.memory_space<vmem>>) offsets(%dma_start3A_18 : memref<128xi32, #tpu.memory_space<vmem>>) semaphore(%arg11 : memref<!tpu.dma_semaphore, #tpu.memory_space<semaphore_mem>>)
    %dma_start3A_22 = arith.constant 256 : i32
    %dma_start3A_23 = arith.constant 0 : i32
    %dma_start3A_24 = tpu.memref_slice %arg9[%dma_start3A_22, %dma_start3A_23] : memref<512x64xf32, #tpu.memory_space<vmem>> -> memref<128x64xf32, #tpu.memory_space<vmem>>
    %dma_start3A_25 = arith.constant 256 : i32
    %dma_start3A_26 = tpu.memref_slice %arg8[%dma_start3A_25] : memref<13312xi32, #tpu.memory_space<vmem>> -> memref<128xi32, #tpu.memory_space<vmem>>
    %dma_start3A_27 = arith.constant 0 : i32
    %dma_start3A_28 = arith.constant 0 : i32
    %dma_start3A_29 = tpu.memref_slice %arg2[%dma_start3A_27, %dma_start3A_28] : memref<1000000x64xf32, #tpu.memory_space<hbm>> -> memref<1000000x64xf32, #tpu.memory_space<hbm>>
    tpu.enqueue_indirect_dma source(%dma_start3A_29 : memref<1000000x64xf32, #tpu.memory_space<hbm>>) target(%dma_start3A_24 : memref<128x64xf32, #tpu.memory_space<vmem>>) offsets(%dma_start3A_26 : memref<128xi32, #tpu.memory_space<vmem>>) semaphore(%arg11 : memref<!tpu.dma_semaphore, #tpu.memory_space<semaphore_mem>>)
    %dma_start3A_30 = arith.constant 384 : i32
    %dma_start3A_31 = arith.constant 0 : i32
    %dma_start3A_32 = tpu.memref_slice %arg9[%dma_start3A_30, %dma_start3A_31] : memref<512x64xf32, #tpu.memory_space<vmem>> -> memref<128x64xf32, #tpu.memory_space<vmem>>
    %dma_start3A_33 = arith.constant 384 : i32
    %dma_start3A_34 = tpu.memref_slice %arg8[%dma_start3A_33] : memref<13312xi32, #tpu.memory_space<vmem>> -> memref<128xi32, #tpu.memory_space<vmem>>
    %dma_start3A_35 = arith.constant 0 : i32
    %dma_start3A_36 = arith.constant 0 : i32
    %dma_start3A_37 = tpu.memref_slice %arg2[%dma_start3A_35, %dma_start3A_36] : memref<1000000x64xf32, #tpu.memory_space<hbm>> -> memref<1000000x64xf32, #tpu.memory_space<hbm>>
    tpu.enqueue_indirect_dma source(%dma_start3A_37 : memref<1000000x64xf32, #tpu.memory_space<hbm>>) target(%dma_start3A_32 : memref<128x64xf32, #tpu.memory_space<vmem>>) offsets(%dma_start3A_34 : memref<128xi32, #tpu.memory_space<vmem>>) semaphore(%arg11 : memref<!tpu.dma_semaphore, #tpu.memory_space<semaphore_mem>>)
    %scan3A_38 = arith.constant 0 : i32
    %scan3A_39 = arith.constant 13 : i32
    %scan3A_40 = arith.addi %scan3A_38, %scan3A_39 : i32
    %scan3A_41 = arith.constant 1 : i32
    scf.for %scan3A_54 = %scan3A_38 to %scan3A_40 step %scan3A_41  : i32 {
      %mul3A_55 = arith.constant 2 : i32
      %mul3A_56 = arith.muli %scan3A_54, %mul3A_55 : i32
      %add3A_57 = arith.constant 0 : i32
      %add3A_58 = arith.addi %add3A_57, %mul3A_56 : i32
      %add3A_59 = arith.constant 0 : i32
      %add3A_60 = arith.addi %add3A_58, %add3A_59 : i32
      %mul3A_61 = arith.constant 4 : i32
      %mul3A_62 = arith.muli %add3A_60, %mul3A_61 : i32
      %add3A_63 = arith.constant 0 : i32
      %add3A_64 = arith.addi %mul3A_62, %add3A_63 : i32
      %mul3A_65 = arith.constant 128 : i32
      %mul3A_66 = arith.muli %add3A_64, %mul3A_65 : i32
      %dma_wait3A_67 = arith.constant 0 : i32
      %dma_wait3A_68 = arith.constant 0 : i32
      %dma_wait3A_69 = tpu.memref_slice %arg9[%dma_wait3A_67, %dma_wait3A_68] : memref<512x64xf32, #tpu.memory_space<vmem>> -> memref<128x64xf32, #tpu.memory_space<vmem>>
      %dma_wait3A_70 = tpu.memref_slice %arg8[%mul3A_66] : memref<13312xi32, #tpu.memory_space<vmem>> -> memref<128xi32, #tpu.memory_space<vmem>>
      %dma_wait3A_71 = arith.constant 0 : i32
      %dma_wait3A_72 = arith.constant 0 : i32
      %dma_wait3A_73 = tpu.memref_slice %arg2[%dma_wait3A_71, %dma_wait3A_72] : memref<1000000x64xf32, #tpu.memory_space<hbm>> -> memref<1000000x64xf32, #tpu.memory_space<hbm>>
      tpu.wait_indirect_dma semaphore(%arg11 : memref<!tpu.dma_semaphore, #tpu.memory_space<semaphore_mem>>) src(%dma_wait3A_73 : memref<1000000x64xf32, #tpu.memory_space<hbm>>) dst(%dma_wait3A_69 : memref<128x64xf32, #tpu.memory_space<vmem>>)
      %mul3A_74 = arith.constant 4 : i32
      %mul3A_75 = arith.muli %add3A_60, %mul3A_74 : i32
      %add3A_76 = arith.constant 1 : i32
      %add3A_77 = arith.addi %mul3A_75, %add3A_76 : i32
      %mul3A_78 = arith.constant 128 : i32
      %mul3A_79 = arith.muli %add3A_77, %mul3A_78 : i32
      %dma_wait3A_80 = arith.constant 128 : i32
      %dma_wait3A_81 = arith.constant 0 : i32
      %dma_wait3A_82 = tpu.memref_slice %arg9[%dma_wait3A_80, %dma_wait3A_81] : memref<512x64xf32, #tpu.memory_space<vmem>> -> memref<128x64xf32, #tpu.memory_space<vmem>>
      %dma_wait3A_83 = tpu.memref_slice %arg8[%mul3A_79] : memref<13312xi32, #tpu.memory_space<vmem>> -> memref<128xi32, #tpu.memory_space<vmem>>
      %dma_wait3A_84 = arith.constant 0 : i32
      %dma_wait3A_85 = arith.constant 0 : i32
      %dma_wait3A_86 = tpu.memref_slice %arg2[%dma_wait3A_84, %dma_wait3A_85] : memref<1000000x64xf32, #tpu.memory_space<hbm>> -> memref<1000000x64xf32, #tpu.memory_space<hbm>>
      tpu.wait_indirect_dma semaphore(%arg11 : memref<!tpu.dma_semaphore, #tpu.memory_space<semaphore_mem>>) src(%dma_wait3A_86 : memref<1000000x64xf32, #tpu.memory_space<hbm>>) dst(%dma_wait3A_82 : memref<128x64xf32, #tpu.memory_space<vmem>>)
      %mul3A_87 = arith.constant 4 : i32
      %mul3A_88 = arith.muli %add3A_60, %mul3A_87 : i32
      %add3A_89 = arith.constant 2 : i32
      %add3A_90 = arith.addi %mul3A_88, %add3A_89 : i32
      %mul3A_91 = arith.constant 128 : i32
      %mul3A_92 = arith.muli %add3A_90, %mul3A_91 : i32
      %dma_wait3A_93 = arith.constant 256 : i32
      %dma_wait3A_94 = arith.constant 0 : i32
      %dma_wait3A_95 = tpu.memref_slice %arg9[%dma_wait3A_93, %dma_wait3A_94] : memref<512x64xf32, #tpu.memory_space<vmem>> -> memref<128x64xf32, #tpu.memory_space<vmem>>
      %dma_wait3A_96 = tpu.memref_slice %arg8[%mul3A_92] : memref<13312xi32, #tpu.memory_space<vmem>> -> memref<128xi32, #tpu.memory_space<vmem>>
      %dma_wait3A_97 = arith.constant 0 : i32
      %dma_wait3A_98 = arith.constant 0 : i32
      %dma_wait3A_99 = tpu.memref_slice %arg2[%dma_wait3A_97, %dma_wait3A_98] : memref<1000000x64xf32, #tpu.memory_space<hbm>> -> memref<1000000x64xf32, #tpu.memory_space<hbm>>
      tpu.wait_indirect_dma semaphore(%arg11 : memref<!tpu.dma_semaphore, #tpu.memory_space<semaphore_mem>>) src(%dma_wait3A_99 : memref<1000000x64xf32, #tpu.memory_space<hbm>>) dst(%dma_wait3A_95 : memref<128x64xf32, #tpu.memory_space<vmem>>)
      %mul3A_100 = arith.constant 4 : i32
      %mul3A_101 = arith.muli %add3A_60, %mul3A_100 : i32
      %add3A_102 = arith.constant 3 : i32
      %add3A_103 = arith.addi %mul3A_101, %add3A_102 : i32
      %mul3A_104 = arith.constant 128 : i32
      %mul3A_105 = arith.muli %add3A_103, %mul3A_104 : i32
      %dma_wait3A_106 = arith.constant 384 : i32
      %dma_wait3A_107 = arith.constant 0 : i32
      %dma_wait3A_108 = tpu.memref_slice %arg9[%dma_wait3A_106, %dma_wait3A_107] : memref<512x64xf32, #tpu.memory_space<vmem>> -> memref<128x64xf32, #tpu.memory_space<vmem>>
      %dma_wait3A_109 = tpu.memref_slice %arg8[%mul3A_105] : memref<13312xi32, #tpu.memory_space<vmem>> -> memref<128xi32, #tpu.memory_space<vmem>>
      %dma_wait3A_110 = arith.constant 0 : i32
      %dma_wait3A_111 = arith.constant 0 : i32
      %dma_wait3A_112 = tpu.memref_slice %arg2[%dma_wait3A_110, %dma_wait3A_111] : memref<1000000x64xf32, #tpu.memory_space<hbm>> -> memref<1000000x64xf32, #tpu.memory_space<hbm>>
      tpu.wait_indirect_dma semaphore(%arg11 : memref<!tpu.dma_semaphore, #tpu.memory_space<semaphore_mem>>) src(%dma_wait3A_112 : memref<1000000x64xf32, #tpu.memory_space<hbm>>) dst(%dma_wait3A_108 : memref<128x64xf32, #tpu.memory_space<vmem>>)
      %add3A_113 = arith.constant 1 : i32
      %add3A_114 = arith.addi %add3A_60, %add3A_113 : i32
      %lt3A = arith.constant 26 : i32
      %lt3A_115 = arith.cmpi slt, %add3A_114, %lt3A : i32
      %convert_element_type3A = arith.extui %lt3A_115 : i1 to i32
      %cond3A = arith.constant 0 : i32
      %cond3A_116 = arith.cmpi ne, %convert_element_type3A, %cond3A : i32
      scf.if %cond3A_116 {
        %ge3A = arith.constant 1 : i32
        %ge3A_196 = arith.cmpi sge, %add3A_60, %ge3A : i32
        %convert_element_type3A_197 = arith.extui %ge3A_196 : i1 to i32
        %cond3A_198 = arith.constant 0 : i32
        %cond3A_199 = arith.cmpi ne, %convert_element_type3A_197, %cond3A_198 : i32
        scf.if %cond3A_199 {
          %sub3A = arith.constant 1 : i32
          %sub3A_254 = arith.subi %add3A_60, %sub3A : i32
          %mul3A_255 = arith.constant 4 : i32
          %mul3A_256 = arith.muli %sub3A_254, %mul3A_255 : i32
          %mul3A_257 = arith.constant 128 : i32
          %mul3A_258 = arith.muli %mul3A_256, %mul3A_257 : i32
          %add3A_259 = arith.addi %mul3A_2, %mul3A_258 : i32
          %dma_wait3A_260 = arith.constant 0 : i32
          %dma_wait3A_261 = tpu.memref_slice %arg5[%add3A_259, %dma_wait3A_260] : memref<425984x64xf32, #tpu.memory_space<hbm>> -> memref<512x64xf32, #tpu.memory_space<hbm>>
          %dma_wait3A_262 = arith.constant 0 : i32
          %dma_wait3A_263 = tpu.memref_slice %arg5[%add3A_259, %dma_wait3A_262] : memref<425984x64xf32, #tpu.memory_space<hbm>> -> memref<512x64xf32, #tpu.memory_space<hbm>>
          tpu.wait_dma2 semaphore(%arg13 : memref<!tpu.dma_semaphore, #tpu.memory_space<semaphore_mem>>) src(%arg10 : memref<512x64xf32, #tpu.memory_space<vmem>>) dst(%dma_wait3A_263 : memref<512x64xf32, #tpu.memory_space<hbm>>)
        } else {
        }
        %add3A_200 = arith.constant 1 : i32
        %add3A_201 = arith.addi %add3A_60, %add3A_200 : i32
        %mul3A_202 = arith.constant 4 : i32
        %mul3A_203 = arith.muli %add3A_201, %mul3A_202 : i32
        %add3A_204 = arith.constant 0 : i32
        %add3A_205 = arith.addi %mul3A_203, %add3A_204 : i32
        %mul3A_206 = arith.constant 128 : i32
        %mul3A_207 = arith.muli %add3A_205, %mul3A_206 : i32
        %dma_start3A_208 = arith.constant 0 : i32
        %dma_start3A_209 = arith.constant 0 : i32
        %dma_start3A_210 = tpu.memref_slice %arg10[%dma_start3A_208, %dma_start3A_209] : memref<512x64xf32, #tpu.memory_space<vmem>> -> memref<128x64xf32, #tpu.memory_space<vmem>>
        %dma_start3A_211 = tpu.memref_slice %arg8[%mul3A_207] : memref<13312xi32, #tpu.memory_space<vmem>> -> memref<128xi32, #tpu.memory_space<vmem>>
        %dma_start3A_212 = arith.constant 0 : i32
        %dma_start3A_213 = arith.constant 0 : i32
        %dma_start3A_214 = tpu.memref_slice %arg2[%dma_start3A_212, %dma_start3A_213] : memref<1000000x64xf32, #tpu.memory_space<hbm>> -> memref<1000000x64xf32, #tpu.memory_space<hbm>>
        tpu.enqueue_indirect_dma source(%dma_start3A_214 : memref<1000000x64xf32, #tpu.memory_space<hbm>>) target(%dma_start3A_210 : memref<128x64xf32, #tpu.memory_space<vmem>>) offsets(%dma_start3A_211 : memref<128xi32, #tpu.memory_space<vmem>>) semaphore(%arg11 : memref<!tpu.dma_semaphore, #tpu.memory_space<semaphore_mem>>)
        %mul3A_215 = arith.constant 4 : i32
        %mul3A_216 = arith.muli %add3A_201, %mul3A_215 : i32
        %add3A_217 = arith.constant 1 : i32
        %add3A_218 = arith.addi %mul3A_216, %add3A_217 : i32
        %mul3A_219 = arith.constant 128 : i32
        %mul3A_220 = arith.muli %add3A_218, %mul3A_219 : i32
        %dma_start3A_221 = arith.constant 128 : i32
        %dma_start3A_222 = arith.constant 0 : i32
        %dma_start3A_223 = tpu.memref_slice %arg10[%dma_start3A_221, %dma_start3A_222] : memref<512x64xf32, #tpu.memory_space<vmem>> -> memref<128x64xf32, #tpu.memory_space<vmem>>
        %dma_start3A_224 = tpu.memref_slice %arg8[%mul3A_220] : memref<13312xi32, #tpu.memory_space<vmem>> -> memref<128xi32, #tpu.memory_space<vmem>>
        %dma_start3A_225 = arith.constant 0 : i32
        %dma_start3A_226 = arith.constant 0 : i32
        %dma_start3A_227 = tpu.memref_slice %arg2[%dma_start3A_225, %dma_start3A_226] : memref<1000000x64xf32, #tpu.memory_space<hbm>> -> memref<1000000x64xf32, #tpu.memory_space<hbm>>
        tpu.enqueue_indirect_dma source(%dma_start3A_227 : memref<1000000x64xf32, #tpu.memory_space<hbm>>) target(%dma_start3A_223 : memref<128x64xf32, #tpu.memory_space<vmem>>) offsets(%dma_start3A_224 : memref<128xi32, #tpu.memory_space<vmem>>) semaphore(%arg11 : memref<!tpu.dma_semaphore, #tpu.memory_space<semaphore_mem>>)
        %mul3A_228 = arith.constant 4 : i32
        %mul3A_229 = arith.muli %add3A_201, %mul3A_228 : i32
        %add3A_230 = arith.constant 2 : i32
        %add3A_231 = arith.addi %mul3A_229, %add3A_230 : i32
        %mul3A_232 = arith.constant 128 : i32
        %mul3A_233 = arith.muli %add3A_231, %mul3A_232 : i32
        %dma_start3A_234 = arith.constant 256 : i32
        %dma_start3A_235 = arith.constant 0 : i32
        %dma_start3A_236 = tpu.memref_slice %arg10[%dma_start3A_234, %dma_start3A_235] : memref<512x64xf32, #tpu.memory_space<vmem>> -> memref<128x64xf32, #tpu.memory_space<vmem>>
        %dma_start3A_237 = tpu.memref_slice %arg8[%mul3A_233] : memref<13312xi32, #tpu.memory_space<vmem>> -> memref<128xi32, #tpu.memory_space<vmem>>
        %dma_start3A_238 = arith.constant 0 : i32
        %dma_start3A_239 = arith.constant 0 : i32
        %dma_start3A_240 = tpu.memref_slice %arg2[%dma_start3A_238, %dma_start3A_239] : memref<1000000x64xf32, #tpu.memory_space<hbm>> -> memref<1000000x64xf32, #tpu.memory_space<hbm>>
        tpu.enqueue_indirect_dma source(%dma_start3A_240 : memref<1000000x64xf32, #tpu.memory_space<hbm>>) target(%dma_start3A_236 : memref<128x64xf32, #tpu.memory_space<vmem>>) offsets(%dma_start3A_237 : memref<128xi32, #tpu.memory_space<vmem>>) semaphore(%arg11 : memref<!tpu.dma_semaphore, #tpu.memory_space<semaphore_mem>>)
        %mul3A_241 = arith.constant 4 : i32
        %mul3A_242 = arith.muli %add3A_201, %mul3A_241 : i32
        %add3A_243 = arith.constant 3 : i32
        %add3A_244 = arith.addi %mul3A_242, %add3A_243 : i32
        %mul3A_245 = arith.constant 128 : i32
        %mul3A_246 = arith.muli %add3A_244, %mul3A_245 : i32
        %dma_start3A_247 = arith.constant 384 : i32
        %dma_start3A_248 = arith.constant 0 : i32
        %dma_start3A_249 = tpu.memref_slice %arg10[%dma_start3A_247, %dma_start3A_248] : memref<512x64xf32, #tpu.memory_space<vmem>> -> memref<128x64xf32, #tpu.memory_space<vmem>>
        %dma_start3A_250 = tpu.memref_slice %arg8[%mul3A_246] : memref<13312xi32, #tpu.memory_space<vmem>> -> memref<128xi32, #tpu.memory_space<vmem>>
        %dma_start3A_251 = arith.constant 0 : i32
        %dma_start3A_252 = arith.constant 0 : i32
        %dma_start3A_253 = tpu.memref_slice %arg2[%dma_start3A_251, %dma_start3A_252] : memref<1000000x64xf32, #tpu.memory_space<hbm>> -> memref<1000000x64xf32, #tpu.memory_space<hbm>>
        tpu.enqueue_indirect_dma source(%dma_start3A_253 : memref<1000000x64xf32, #tpu.memory_space<hbm>>) target(%dma_start3A_249 : memref<128x64xf32, #tpu.memory_space<vmem>>) offsets(%dma_start3A_250 : memref<128xi32, #tpu.memory_space<vmem>>) semaphore(%arg11 : memref<!tpu.dma_semaphore, #tpu.memory_space<semaphore_mem>>)
      } else {
      }
      %mul3A_117 = arith.constant 4 : i32
      %mul3A_118 = arith.muli %add3A_60, %mul3A_117 : i32
      %mul3A_119 = arith.constant 128 : i32
      %mul3A_120 = arith.muli %mul3A_118, %mul3A_119 : i32
      %add3A_121 = arith.addi %mul3A_2, %mul3A_120 : i32
      %dma_start3A_122 = arith.constant 0 : i32
      %dma_start3A_123 = tpu.memref_slice %arg5[%add3A_121, %dma_start3A_122] : memref<425984x64xf32, #tpu.memory_space<hbm>> -> memref<512x64xf32, #tpu.memory_space<hbm>>
      %dma_start3A_124 = arith.constant 0 : i32
      %dma_start3A_125 = tpu.memref_slice %arg5[%add3A_121, %dma_start3A_124] : memref<425984x64xf32, #tpu.memory_space<hbm>> -> memref<512x64xf32, #tpu.memory_space<hbm>>
      tpu.enqueue_dma source(%arg9 : memref<512x64xf32, #tpu.memory_space<vmem>>) target(%dma_start3A_125 : memref<512x64xf32, #tpu.memory_space<hbm>>) target_semaphore(%arg12 : memref<!tpu.dma_semaphore, #tpu.memory_space<semaphore_mem>>)
      %add3A_126 = arith.constant 1 : i32
      %add3A_127 = arith.addi %add3A_58, %add3A_126 : i32
      %mul3A_128 = arith.constant 4 : i32
      %mul3A_129 = arith.muli %add3A_127, %mul3A_128 : i32
      %add3A_130 = arith.constant 0 : i32
      %add3A_131 = arith.addi %mul3A_129, %add3A_130 : i32
      %mul3A_132 = arith.constant 128 : i32
      %mul3A_133 = arith.muli %add3A_131, %mul3A_132 : i32
      %dma_wait3A_134 = arith.constant 0 : i32
      %dma_wait3A_135 = arith.constant 0 : i32
      %dma_wait3A_136 = tpu.memref_slice %arg10[%dma_wait3A_134, %dma_wait3A_135] : memref<512x64xf32, #tpu.memory_space<vmem>> -> memref<128x64xf32, #tpu.memory_space<vmem>>
      %dma_wait3A_137 = tpu.memref_slice %arg8[%mul3A_133] : memref<13312xi32, #tpu.memory_space<vmem>> -> memref<128xi32, #tpu.memory_space<vmem>>
      %dma_wait3A_138 = arith.constant 0 : i32
      %dma_wait3A_139 = arith.constant 0 : i32
      %dma_wait3A_140 = tpu.memref_slice %arg2[%dma_wait3A_138, %dma_wait3A_139] : memref<1000000x64xf32, #tpu.memory_space<hbm>> -> memref<1000000x64xf32, #tpu.memory_space<hbm>>
      tpu.wait_indirect_dma semaphore(%arg11 : memref<!tpu.dma_semaphore, #tpu.memory_space<semaphore_mem>>) src(%dma_wait3A_140 : memref<1000000x64xf32, #tpu.memory_space<hbm>>) dst(%dma_wait3A_136 : memref<128x64xf32, #tpu.memory_space<vmem>>)
      %mul3A_141 = arith.constant 4 : i32
      %mul3A_142 = arith.muli %add3A_127, %mul3A_141 : i32
      %add3A_143 = arith.constant 1 : i32
      %add3A_144 = arith.addi %mul3A_142, %add3A_143 : i32
      %mul3A_145 = arith.constant 128 : i32
      %mul3A_146 = arith.muli %add3A_144, %mul3A_145 : i32
      %dma_wait3A_147 = arith.constant 128 : i32
      %dma_wait3A_148 = arith.constant 0 : i32
      %dma_wait3A_149 = tpu.memref_slice %arg10[%dma_wait3A_147, %dma_wait3A_148] : memref<512x64xf32, #tpu.memory_space<vmem>> -> memref<128x64xf32, #tpu.memory_space<vmem>>
      %dma_wait3A_150 = tpu.memref_slice %arg8[%mul3A_146] : memref<13312xi32, #tpu.memory_space<vmem>> -> memref<128xi32, #tpu.memory_space<vmem>>
      %dma_wait3A_151 = arith.constant 0 : i32
      %dma_wait3A_152 = arith.constant 0 : i32
      %dma_wait3A_153 = tpu.memref_slice %arg2[%dma_wait3A_151, %dma_wait3A_152] : memref<1000000x64xf32, #tpu.memory_space<hbm>> -> memref<1000000x64xf32, #tpu.memory_space<hbm>>
      tpu.wait_indirect_dma semaphore(%arg11 : memref<!tpu.dma_semaphore, #tpu.memory_space<semaphore_mem>>) src(%dma_wait3A_153 : memref<1000000x64xf32, #tpu.memory_space<hbm>>) dst(%dma_wait3A_149 : memref<128x64xf32, #tpu.memory_space<vmem>>)
      %mul3A_154 = arith.constant 4 : i32
      %mul3A_155 = arith.muli %add3A_127, %mul3A_154 : i32
      %add3A_156 = arith.constant 2 : i32
      %add3A_157 = arith.addi %mul3A_155, %add3A_156 : i32
      %mul3A_158 = arith.constant 128 : i32
      %mul3A_159 = arith.muli %add3A_157, %mul3A_158 : i32
      %dma_wait3A_160 = arith.constant 256 : i32
      %dma_wait3A_161 = arith.constant 0 : i32
      %dma_wait3A_162 = tpu.memref_slice %arg10[%dma_wait3A_160, %dma_wait3A_161] : memref<512x64xf32, #tpu.memory_space<vmem>> -> memref<128x64xf32, #tpu.memory_space<vmem>>
      %dma_wait3A_163 = tpu.memref_slice %arg8[%mul3A_159] : memref<13312xi32, #tpu.memory_space<vmem>> -> memref<128xi32, #tpu.memory_space<vmem>>
      %dma_wait3A_164 = arith.constant 0 : i32
      %dma_wait3A_165 = arith.constant 0 : i32
      %dma_wait3A_166 = tpu.memref_slice %arg2[%dma_wait3A_164, %dma_wait3A_165] : memref<1000000x64xf32, #tpu.memory_space<hbm>> -> memref<1000000x64xf32, #tpu.memory_space<hbm>>
      tpu.wait_indirect_dma semaphore(%arg11 : memref<!tpu.dma_semaphore, #tpu.memory_space<semaphore_mem>>) src(%dma_wait3A_166 : memref<1000000x64xf32, #tpu.memory_space<hbm>>) dst(%dma_wait3A_162 : memref<128x64xf32, #tpu.memory_space<vmem>>)
      %mul3A_167 = arith.constant 4 : i32
      %mul3A_168 = arith.muli %add3A_127, %mul3A_167 : i32
      %add3A_169 = arith.constant 3 : i32
      %add3A_170 = arith.addi %mul3A_168, %add3A_169 : i32
      %mul3A_171 = arith.constant 128 : i32
      %mul3A_172 = arith.muli %add3A_170, %mul3A_171 : i32
      %dma_wait3A_173 = arith.constant 384 : i32
      %dma_wait3A_174 = arith.constant 0 : i32
      %dma_wait3A_175 = tpu.memref_slice %arg10[%dma_wait3A_173, %dma_wait3A_174] : memref<512x64xf32, #tpu.memory_space<vmem>> -> memref<128x64xf32, #tpu.memory_space<vmem>>
      %dma_wait3A_176 = tpu.memref_slice %arg8[%mul3A_172] : memref<13312xi32, #tpu.memory_space<vmem>> -> memref<128xi32, #tpu.memory_space<vmem>>
      %dma_wait3A_177 = arith.constant 0 : i32
      %dma_wait3A_178 = arith.constant 0 : i32
      %dma_wait3A_179 = tpu.memref_slice %arg2[%dma_wait3A_177, %dma_wait3A_178] : memref<1000000x64xf32, #tpu.memory_space<hbm>> -> memref<1000000x64xf32, #tpu.memory_space<hbm>>
      tpu.wait_indirect_dma semaphore(%arg11 : memref<!tpu.dma_semaphore, #tpu.memory_space<semaphore_mem>>) src(%dma_wait3A_179 : memref<1000000x64xf32, #tpu.memory_space<hbm>>) dst(%dma_wait3A_175 : memref<128x64xf32, #tpu.memory_space<vmem>>)
      %add3A_180 = arith.constant 1 : i32
      %add3A_181 = arith.addi %add3A_127, %add3A_180 : i32
      %lt3A_182 = arith.constant 26 : i32
      %lt3A_183 = arith.cmpi slt, %add3A_181, %lt3A_182 : i32
      %convert_element_type3A_184 = arith.extui %lt3A_183 : i1 to i32
      %cond3A_185 = arith.constant 0 : i32
      %cond3A_186 = arith.cmpi ne, %convert_element_type3A_184, %cond3A_185 : i32
      scf.if %cond3A_186 {
        %ge3A = arith.constant 1 : i32
        %ge3A_196 = arith.cmpi sge, %add3A_127, %ge3A : i32
        %convert_element_type3A_197 = arith.extui %ge3A_196 : i1 to i32
        %cond3A_198 = arith.constant 0 : i32
        %cond3A_199 = arith.cmpi ne, %convert_element_type3A_197, %cond3A_198 : i32
        scf.if %cond3A_199 {
          %sub3A = arith.constant 1 : i32
          %sub3A_254 = arith.subi %add3A_127, %sub3A : i32
          %mul3A_255 = arith.constant 4 : i32
          %mul3A_256 = arith.muli %sub3A_254, %mul3A_255 : i32
          %mul3A_257 = arith.constant 128 : i32
          %mul3A_258 = arith.muli %mul3A_256, %mul3A_257 : i32
          %add3A_259 = arith.addi %mul3A_2, %mul3A_258 : i32
          %dma_wait3A_260 = arith.constant 0 : i32
          %dma_wait3A_261 = tpu.memref_slice %arg5[%add3A_259, %dma_wait3A_260] : memref<425984x64xf32, #tpu.memory_space<hbm>> -> memref<512x64xf32, #tpu.memory_space<hbm>>
          %dma_wait3A_262 = arith.constant 0 : i32
          %dma_wait3A_263 = tpu.memref_slice %arg5[%add3A_259, %dma_wait3A_262] : memref<425984x64xf32, #tpu.memory_space<hbm>> -> memref<512x64xf32, #tpu.memory_space<hbm>>
          tpu.wait_dma2 semaphore(%arg12 : memref<!tpu.dma_semaphore, #tpu.memory_space<semaphore_mem>>) src(%arg9 : memref<512x64xf32, #tpu.memory_space<vmem>>) dst(%dma_wait3A_263 : memref<512x64xf32, #tpu.memory_space<hbm>>)
        } else {
        }
        %add3A_200 = arith.constant 1 : i32
        %add3A_201 = arith.addi %add3A_127, %add3A_200 : i32
        %mul3A_202 = arith.constant 4 : i32
        %mul3A_203 = arith.muli %add3A_201, %mul3A_202 : i32
        %add3A_204 = arith.constant 0 : i32
        %add3A_205 = arith.addi %mul3A_203, %add3A_204 : i32
        %mul3A_206 = arith.constant 128 : i32
        %mul3A_207 = arith.muli %add3A_205, %mul3A_206 : i32
        %dma_start3A_208 = arith.constant 0 : i32
        %dma_start3A_209 = arith.constant 0 : i32
        %dma_start3A_210 = tpu.memref_slice %arg9[%dma_start3A_208, %dma_start3A_209] : memref<512x64xf32, #tpu.memory_space<vmem>> -> memref<128x64xf32, #tpu.memory_space<vmem>>
        %dma_start3A_211 = tpu.memref_slice %arg8[%mul3A_207] : memref<13312xi32, #tpu.memory_space<vmem>> -> memref<128xi32, #tpu.memory_space<vmem>>
        %dma_start3A_212 = arith.constant 0 : i32
        %dma_start3A_213 = arith.constant 0 : i32
        %dma_start3A_214 = tpu.memref_slice %arg2[%dma_start3A_212, %dma_start3A_213] : memref<1000000x64xf32, #tpu.memory_space<hbm>> -> memref<1000000x64xf32, #tpu.memory_space<hbm>>
        tpu.enqueue_indirect_dma source(%dma_start3A_214 : memref<1000000x64xf32, #tpu.memory_space<hbm>>) target(%dma_start3A_210 : memref<128x64xf32, #tpu.memory_space<vmem>>) offsets(%dma_start3A_211 : memref<128xi32, #tpu.memory_space<vmem>>) semaphore(%arg11 : memref<!tpu.dma_semaphore, #tpu.memory_space<semaphore_mem>>)
        %mul3A_215 = arith.constant 4 : i32
        %mul3A_216 = arith.muli %add3A_201, %mul3A_215 : i32
        %add3A_217 = arith.constant 1 : i32
        %add3A_218 = arith.addi %mul3A_216, %add3A_217 : i32
        %mul3A_219 = arith.constant 128 : i32
        %mul3A_220 = arith.muli %add3A_218, %mul3A_219 : i32
        %dma_start3A_221 = arith.constant 128 : i32
        %dma_start3A_222 = arith.constant 0 : i32
        %dma_start3A_223 = tpu.memref_slice %arg9[%dma_start3A_221, %dma_start3A_222] : memref<512x64xf32, #tpu.memory_space<vmem>> -> memref<128x64xf32, #tpu.memory_space<vmem>>
        %dma_start3A_224 = tpu.memref_slice %arg8[%mul3A_220] : memref<13312xi32, #tpu.memory_space<vmem>> -> memref<128xi32, #tpu.memory_space<vmem>>
        %dma_start3A_225 = arith.constant 0 : i32
        %dma_start3A_226 = arith.constant 0 : i32
        %dma_start3A_227 = tpu.memref_slice %arg2[%dma_start3A_225, %dma_start3A_226] : memref<1000000x64xf32, #tpu.memory_space<hbm>> -> memref<1000000x64xf32, #tpu.memory_space<hbm>>
        tpu.enqueue_indirect_dma source(%dma_start3A_227 : memref<1000000x64xf32, #tpu.memory_space<hbm>>) target(%dma_start3A_223 : memref<128x64xf32, #tpu.memory_space<vmem>>) offsets(%dma_start3A_224 : memref<128xi32, #tpu.memory_space<vmem>>) semaphore(%arg11 : memref<!tpu.dma_semaphore, #tpu.memory_space<semaphore_mem>>)
        %mul3A_228 = arith.constant 4 : i32
        %mul3A_229 = arith.muli %add3A_201, %mul3A_228 : i32
        %add3A_230 = arith.constant 2 : i32
        %add3A_231 = arith.addi %mul3A_229, %add3A_230 : i32
        %mul3A_232 = arith.constant 128 : i32
        %mul3A_233 = arith.muli %add3A_231, %mul3A_232 : i32
        %dma_start3A_234 = arith.constant 256 : i32
        %dma_start3A_235 = arith.constant 0 : i32
        %dma_start3A_236 = tpu.memref_slice %arg9[%dma_start3A_234, %dma_start3A_235] : memref<512x64xf32, #tpu.memory_space<vmem>> -> memref<128x64xf32, #tpu.memory_space<vmem>>
        %dma_start3A_237 = tpu.memref_slice %arg8[%mul3A_233] : memref<13312xi32, #tpu.memory_space<vmem>> -> memref<128xi32, #tpu.memory_space<vmem>>
        %dma_start3A_238 = arith.constant 0 : i32
        %dma_start3A_239 = arith.constant 0 : i32
        %dma_start3A_240 = tpu.memref_slice %arg2[%dma_start3A_238, %dma_start3A_239] : memref<1000000x64xf32, #tpu.memory_space<hbm>> -> memref<1000000x64xf32, #tpu.memory_space<hbm>>
        tpu.enqueue_indirect_dma source(%dma_start3A_240 : memref<1000000x64xf32, #tpu.memory_space<hbm>>) target(%dma_start3A_236 : memref<128x64xf32, #tpu.memory_space<vmem>>) offsets(%dma_start3A_237 : memref<128xi32, #tpu.memory_space<vmem>>) semaphore(%arg11 : memref<!tpu.dma_semaphore, #tpu.memory_space<semaphore_mem>>)
        %mul3A_241 = arith.constant 4 : i32
        %mul3A_242 = arith.muli %add3A_201, %mul3A_241 : i32
        %add3A_243 = arith.constant 3 : i32
        %add3A_244 = arith.addi %mul3A_242, %add3A_243 : i32
        %mul3A_245 = arith.constant 128 : i32
        %mul3A_246 = arith.muli %add3A_244, %mul3A_245 : i32
        %dma_start3A_247 = arith.constant 384 : i32
        %dma_start3A_248 = arith.constant 0 : i32
        %dma_start3A_249 = tpu.memref_slice %arg9[%dma_start3A_247, %dma_start3A_248] : memref<512x64xf32, #tpu.memory_space<vmem>> -> memref<128x64xf32, #tpu.memory_space<vmem>>
        %dma_start3A_250 = tpu.memref_slice %arg8[%mul3A_246] : memref<13312xi32, #tpu.memory_space<vmem>> -> memref<128xi32, #tpu.memory_space<vmem>>
        %dma_start3A_251 = arith.constant 0 : i32
        %dma_start3A_252 = arith.constant 0 : i32
        %dma_start3A_253 = tpu.memref_slice %arg2[%dma_start3A_251, %dma_start3A_252] : memref<1000000x64xf32, #tpu.memory_space<hbm>> -> memref<1000000x64xf32, #tpu.memory_space<hbm>>
        tpu.enqueue_indirect_dma source(%dma_start3A_253 : memref<1000000x64xf32, #tpu.memory_space<hbm>>) target(%dma_start3A_249 : memref<128x64xf32, #tpu.memory_space<vmem>>) offsets(%dma_start3A_250 : memref<128xi32, #tpu.memory_space<vmem>>) semaphore(%arg11 : memref<!tpu.dma_semaphore, #tpu.memory_space<semaphore_mem>>)
      } else {
      }
      %mul3A_187 = arith.constant 4 : i32
      %mul3A_188 = arith.muli %add3A_127, %mul3A_187 : i32
      %mul3A_189 = arith.constant 128 : i32
      %mul3A_190 = arith.muli %mul3A_188, %mul3A_189 : i32
      %add3A_191 = arith.addi %mul3A_2, %mul3A_190 : i32
      %dma_start3A_192 = arith.constant 0 : i32
      %dma_start3A_193 = tpu.memref_slice %arg5[%add3A_191, %dma_start3A_192] : memref<425984x64xf32, #tpu.memory_space<hbm>> -> memref<512x64xf32, #tpu.memory_space<hbm>>
      %dma_start3A_194 = arith.constant 0 : i32
      %dma_start3A_195 = tpu.memref_slice %arg5[%add3A_191, %dma_start3A_194] : memref<425984x64xf32, #tpu.memory_space<hbm>> -> memref<512x64xf32, #tpu.memory_space<hbm>>
      tpu.enqueue_dma source(%arg10 : memref<512x64xf32, #tpu.memory_space<vmem>>) target(%dma_start3A_195 : memref<512x64xf32, #tpu.memory_space<hbm>>) target_semaphore(%arg13 : memref<!tpu.dma_semaphore, #tpu.memory_space<semaphore_mem>>)
    }
    %scan3A_42 = arith.constant 13 : i32
    %add3A_43 = arith.constant 12288 : i32
    %add3A_44 = arith.addi %mul3A_2, %add3A_43 : i32
    %dma_wait3A = arith.constant 0 : i32
    %dma_wait3A_45 = tpu.memref_slice %arg5[%add3A_44, %dma_wait3A] : memref<425984x64xf32, #tpu.memory_space<hbm>> -> memref<512x64xf32, #tpu.memory_space<hbm>>
    %dma_wait3A_46 = arith.constant 0 : i32
    %dma_wait3A_47 = tpu.memref_slice %arg5[%add3A_44, %dma_wait3A_46] : memref<425984x64xf32, #tpu.memory_space<hbm>> -> memref<512x64xf32, #tpu.memory_space<hbm>>
    tpu.wait_dma2 semaphore(%arg12 : memref<!tpu.dma_semaphore, #tpu.memory_space<semaphore_mem>>) src(%arg9 : memref<512x64xf32, #tpu.memory_space<vmem>>) dst(%dma_wait3A_47 : memref<512x64xf32, #tpu.memory_space<hbm>>)
    %add3A_48 = arith.constant 12800 : i32
    %add3A_49 = arith.addi %mul3A_2, %add3A_48 : i32
    %dma_wait3A_50 = arith.constant 0 : i32
    %dma_wait3A_51 = tpu.memref_slice %arg5[%add3A_49, %dma_wait3A_50] : memref<425984x64xf32, #tpu.memory_space<hbm>> -> memref<512x64xf32, #tpu.memory_space<hbm>>
    %dma_wait3A_52 = arith.constant 0 : i32
    %dma_wait3A_53 = tpu.memref_slice %arg5[%add3A_49, %dma_wait3A_52] : memref<425984x64xf32, #tpu.memory_space<hbm>> -> memref<512x64xf32, #tpu.memory_space<hbm>>
    tpu.wait_dma2 semaphore(%arg13 : memref<!tpu.dma_semaphore, #tpu.memory_space<semaphore_mem>>) src(%arg10 : memref<512x64xf32, #tpu.memory_space<vmem>>) dst(%dma_wait3A_53 : memref<512x64xf32, #tpu.memory_space<hbm>>)
    return
  }
}

</mosaic_0001>

<sc_bundles>
// kernel: kernel.3.cloned.1.call-start
scs
__scs_entry_jumppad:
0x0: {  	(pc) =	sbr.rel $0x88, $3  }
0x1: {  	(tag) =	ssettag $0x0;
	lr =	simm.s32 $0x1  }
0x2: {  	[smem:$0x3F9F] =	sst lr;
	_ =	strace $0xD0000000  }
0x3: {  	_ = 	snop  }
0x4: {  	_ = 	snop  }
0x5: {  	_ = 	snop  }
0x6: {  	_ = 	snop  }
0x7: {  	_ = 	snop  }
__scs_overlays_trampoline_lowered:
0x8: {  	[smem:$0x3FAE] =	sst s0  }
0x9: {  	[smem:$0x3FAF] =	sst s1  }
0xa: {  	[smem:$0x3FB0] =	sst s2  }
0xb: {  	[smem:$0x3FB1] =	sst s3  }
0xc: {  	[smem:$0x3FB2] =	sst s4  }
0xd: {  	[smem:$0x3FB3] =	sst s5  }
0xe: {  	[smem:$0x3FB4] =	sst s6  }
0xf: {  	[smem:$0x3FB5] =	sst s7  }
0x10: {  	[smem:$0x3FB6] =	sst s8  }
0x11: {  	[smem:$0x3FB7] =	sst s9;
	s0 =	simm.s32 @!p0 $0x0  }
0x12: {  	s1 =	sld [smem:$0x3F9D];
	s0 =	simm.s32 @p0 $0x1  }
0x13: {  	[smem:$0x3FB8] =	sst s0;
	s0 =	simm.s32 @!p1 $0x0  }
0x14: {  	s2 =	sld [smem:$0x3F9C];
	s0 =	simm.s32 @p1 $0x1  }
0x15: {  	[smem:$0x3FB9] =	sst s0;
	s0 =	simm.s32 @!p2 $0x0  }
0x16: {  	s3 =	sld [smem:$0x3FDB];
	s0 =	simm.s32 @p2 $0x1  }
0x17: {  	s4 =	simm.s32 $0x1BF5;
	[smem:$0x3FBB] =	sst s0  }
0x18: {  	s0 =	sld [smem:$0x3F9E];
	_ =	swait.ge [sflag:s4], $0x0  }
0x19: {  	s7 =	sld [smem:$0x3F9F]  }
0x1a: {  	s8 =	sadd.s32 $0xFFFFE003, lr  }
0x1b: {  	s9 =	sadd.s32 $0xFFFFFEF7, lr;
	s5 =	simm.s32 $0xFFFFFFFF;
	p2 =	slt.u32 s8, $0xFFFFF086  }
0x1c: {  	p1 =	slt.u32 s9, $0xF7A;
	s5 =	simm.s32 @!p2 $0x0  }
0x1d: {  	s5 =	simm.s32 @p1 $0x1;
	p0 =	seq.s32 s7, s2  }
0x1e: {  	s7 =	smul.u32 @!p0 $0xF7A, s2;
	p2 =	seq.s32 @!p0 s5, $0x0  }
0x1f: {  	s9 =	smul.u32 $0xF7A, s1;
	s8 =	simm.s32 @!p0 $0x1BF5;
	p2 =	por !p2, p0  }
0x20: {  	[sflag:s8] =	ssyncset.s32 @!p0 $0xFFFFF086;
	s6 =	sadd.s32 @!p0 s3, s7;
	s7 =	simm.s32 @!p0 $0x108  }
0x21: {  	s3 =	sadd.s32 s3, s9;
	s6 =	sadd.s32 @!p0 $0x88, s6;
	s7 =	simm.s32 @p2 $0x1082  }
0x22: {  	[simem:s7], [sflag:s8] =	dma.local @!p0 [hbm:s6], $0xF7A  }
0x23: {  	s9 =	sor.u32 $0xD0000000, s2;
	s6 =	simm.s32 $0x108;
	_ =	swait.ge @!p0 [sflag:s8], $0x0  }
0x24: {  	s3 =	sadd.s32 $0x88, s3;
	s6 =	simm.s32 @!p1 $0x1082;
	[sflag:s4] =	ssyncset.s32 $0xFFFFF086  }
0x25: {  	[simem:s6], [sflag:s4] =	dma.local [hbm:s3], $0xF7A  }
0x26: {  	[smem:$0x3F9F] =	sst s1;
	(tag) =	ssettag s2;
	_ =	strace s9  }
0x27: {  	s1 =	sld [smem:$0x3FAF]  }
0x28: {  	s2 =	sld [smem:$0x3FB0]  }
0x29: {  	s4 =	sld [smem:$0x3FB2]  }
0x2a: {  	p0 =	seq.s32 s5, $0x0;
	s5 =	sld [smem:$0x3FB3]  }
0x2b: {  	s6 =	sld [smem:$0x3FB4]  }
0x2c: {  	s7 =	sld [smem:$0x3FB5]  }
0x2d: {  	s3 =	simm.s32 $0x108;
	s8 =	sld [smem:$0x3FB6]  }
0x2e: {  	s3 =	simm.s32 @!p0 $0x1082;
	s9 =	sld [smem:$0x3FB7]  }
0x2f: {  	lr =	sadd.s32 s0, s3;
	s0 =	sld [smem:$0x3FAE]  }
0x30: {  	s3 =	sld [smem:$0x3FB1]  }
0x31: {  	[smem:$0x3FBA] =	sst s10  }
0x32: {  	s10 =	sld [smem:$0x3FB8];
	_ =	sdelay $0x3  }
0x33: {  	p0 =	seq.s32 s10, $0x1;
	s10 =	sld [smem:$0x3FBA];
	_ =	sdelay $0x3  }
0x34: {  	[smem:$0x3FBA] =	sst s10  }
0x35: {  	s10 =	sld [smem:$0x3FB9];
	_ =	sdelay $0x3  }
0x36: {  	p1 =	seq.s32 s10, $0x1;
	s10 =	sld [smem:$0x3FBA];
	_ =	sdelay $0x3  }
0x37: {  	[smem:$0x3FBA] =	sst s10  }
0x38: {  	s10 =	sld [smem:$0x3FBB]  }
0x39: {  	_ = 	snop;
	(pc) =	sbr.ind lr, $3  }
0x3a: {  	_ = 	snop  }
0x3b: {  	_ = 	snop  }
0x3c: {  	p2 =	seq.s32 s10, $0x1;
	s10 =	sld [smem:$0x3FBA]  }
0x3d: {  	_ =	shalt  }
0x3e: {  	_ =	shalt  }
0x3f: {  	_ =	shalt  }
0x40: {  	_ =	shalt  }
0x41: {  	_ =	shalt  }
0x42: {  	_ =	shalt  }
0x43: {  	_ =	shalt  }
0x44: {  	_ =	shalt  }
0x45: {  	_ =	shalt  }
0x46: {  	_ =	shalt  }
0x47: {  	_ =	shalt  }
0x48: {  	_ =	shalt  }
0x49: {  	_ =	shalt  }
0x4a: {  	_ =	shalt  }
0x4b: {  	_ =	shalt  }
0x4c: {  	_ =	shalt  }
0x4d: {  	_ =	shalt  }
0x4e: {  	_ =	shalt  }
0x4f: {  	_ =	shalt  }
0x50: {  	_ =	shalt  }
0x51: {  	_ =	shalt  }
0x52: {  	_ =	shalt  }
0x53: {  	_ =	shalt  }
0x54: {  	_ =	shalt  }
0x55: {  	_ =	shalt  }
0x56: {  	_ =	shalt  }
0x57: {  	_ =	shalt  }
0x58: {  	_ =	shalt  }
0x59: {  	_ =	shalt  }
0x5a: {  	_ =	shalt  }
0x5b: {  	_ =	shalt  }
0x5c: {  	_ =	shalt  }
0x5d: {  	_ =	shalt  }
0x5e: {  	_ =	shalt  }
0x5f: {  	_ =	shalt  }
0x60: {  	_ =	shalt  }
0x61: {  	_ =	shalt  }
0x62: {  	_ =	shalt  }
0x63: {  	_ =	shalt  }
0x64: {  	_ =	shalt  }
0x65: {  	_ =	shalt  }
0x66: {  	_ =	shalt  }
0x67: {  	_ =	shalt  }
0x68: {  	_ =	shalt  }
0x69: {  	_ =	shalt  }
0x6a: {  	_ =	shalt  }
0x6b: {  	_ =	shalt  }
0x6c: {  	_ =	shalt  }
0x6d: {  	_ =	shalt  }
0x6e: {  	_ =	shalt  }
0x6f: {  	_ =	shalt  }
0x70: {  	_ =	shalt  }
0x71: {  	_ =	shalt  }
0x72: {  	_ =	shalt  }
0x73: {  	_ =	shalt  }
0x74: {  	_ =	shalt  }
0x75: {  	_ =	shalt  }
0x76: {  	_ =	shalt  }
0x77: {  	_ =	shalt  }
0x78: {  	_ =	shalt  }
0x79: {  	_ =	shalt  }
0x7a: {  	_ =	shalt  }
0x7b: {  	_ =	shalt  }
0x7c: {  	_ =	shalt  }
0x7d: {  	_ =	shalt  }
0x7e: {  	_ =	shalt  }
0x7f: {  	_ =	shalt  }
0x80: {  	_ =	shalt  }
0x81: {  	_ =	shalt  }
0x82: {  	_ =	shalt  }
0x83: {  	_ =	shalt  }
0x84: {  	_ =	shalt  }
0x85: {  	_ =	shalt  }
0x86: {  	_ =	shalt  }
0x87: {  	_ =	shalt  }
.Lfunc_end0:
.L_simem_size_0:
called_computation_lowered:
.L_overlay_start_0:
0x88: {  	s2 =	sld [smem:$0x3FD9]  }
0x89: {  	s3 =	sld [smem:$0x3FFE];
	_ =	sdelay $0x1  }
0x8a: {  	s1 =	srdreg.scid  }
0x8b: {  	s0 =	sand.u32 $0x1, s1  }
0x8c: {  	s17 =	sshll.u32 s0, $0xA;
	s2 =	sadd.s32 s3, s2  }
0x8d: {  	s2 =	sadd.s32 s2, s17  }
0x8e: {  	[smem:$0x3FC6] =	sst s2  }
0x8f: {  	_ = 	snop  }
0x90: {  	s2 =	sld [smem:$0x3FD0];
	(tm) =	ssettm $0x1  }
0x91: {  	s18 =	sld [smem:$0x3FFB];
	_ =	sdelay $0x3  }
0x92: {  	_ =	strace s18  }
0x93: {  	s3 =	sld [smem:$0x3FFC];
	_ =	sdelay $0x3  }
0x94: {  	_ =	strace s3  }
0x95: {  	s3 =	sld [smem:$0x3FFD];
	_ =	sdelay $0x3  }
0x96: {  	_ =	strace s3  }
0x97: {  	_ =	strace $0x8FFFFFFF  }
0x98: {  	s19 =	sld [smem:$0x3FDB];
	_ =	sdelay $0x1  }
0x99: {  	s4 =	simm.s32 $_scs_section_size  }
0x9a: {  	s5 =	simm.s32 $_size__tile_overlayer_lowered;
	s6 =	simm.s32 $_tile_overlayer_lowered  }
0x9b: {  	s22 =	simm.s32 $0x1BFF;
	s21 =	sshll.u32 s6, $0x1;
	s3 =	sadd.s32 s4, s19  }
0x9c: {  	s7 =	simm.s32 $0x0;
	s20 =	sshll.u32 s5, $0x1;
	s5 =	sadd.s32 s21, s3  }
0x9d: {  	[timem:s7], [sflag:s22] =	dma.local [hbm:s5], s20  }
0x9e: {  	_ =	swait.ge [sflag:s22], s20  }
0x9f: {  	s4 =	ssub.s32 $0x0, s20;
	[sflag:s22] =	ssyncset.done $0x0  }
0xa0: {  	[sflag:s22] =	ssyncadd.s32 s4;
	_ =	sdelay $0x1  }
0xa1: {  	s23 =	simm.s32 $0x1B8B  }
0xa2: {  	_ =	swait.ge [sflag:s23], $0x1  }
0xa3: {  	[sflag:s23] =	ssyncset.done $0x0  }
0xa4: {  	s25 =	simm.s32 $0x1B8E;
	s24 =	sld [smem:$0x3FFE];
	[sflag:s23] =	ssyncadd.s32 $0xFFFFFFFF  }
0xa5: {  	s26 =	simm.s32 $execute0_lowered;
	[smem:$0x3FD2] =	sst s25  }
0xa6: {  	s5 =	sshll.u32 s26, $0x1;
	_ =	strace $0x80000046;
	[dreg:$0x1] =	wrdreg $0xFFFFFFFF  }
0xa7: {  	s28 =	simm.s32 $_size_execute0_lowered;
	s3 =	sadd.s32 s3, s5;
	[dreg:$0x0] =	wrdreg $0x0  }
0xa8: {  	s5 =	sshll.u32 s28, $0x1;
	[dreg:$0x2] =	wrdreg s3  }
0xa9: {  	[dreg:$0x3] =	wrdreg s5  }
0xaa: {  	[dreg:$0x4] =	wrdreg $0xC0  }
0xab: {  	_ =	task [dreg:s7], $0x5FFFF  }
0xac: {  	[dreg:$0x1] =	wrdreg $0xFFFFFFFF  }
0xad: {  	[dreg:$0x0] =	wrdreg $0x60  }
0xae: {  	[dreg:$0x2] =	wrdreg s24  }
0xaf: {  	[dreg:$0x3] =	wrdreg s2  }
0xb0: {  	[dreg:$0x4] =	wrdreg $0x9  }
0xb1: {  	_ =	task.clear_ibuf [dreg:s7], $0x5FFFF;
	_ =	strace $0x90000046  }
0xb2: {  	s29 =	simm.s32 $0x9;
	_ =	strace $0x80000048  }
0xb3: {  	_ =	swait.ge [sflag:s29], $0x1  }
0xb4: {  	[sflag:s29] =	ssyncadd.s32 $0xFFFFFFFF  }
0xb5: {  	_ =	strace $0x90000048  }
0xb6: {  	_ =	sfence  }
0xb7: {  	s30 =	sld [smem:$0x0];
	_ =	sdelay $0x2  }
0xb8: {  	s31 =	sshll.u32 s1, $0xD;
	s1 =	sshrl.u32 s1, $0x2  }
0xb9: {  	s3 =	sand.u32 $0x4000, s31;
	s1 =	sadd.s32 s1, s30  }
0xba: {  	s0 =	sor.u32 s3, s0;
	s1 =	sshll.u32 s1, $0x11  }
0xbb: {  	s0 =	sor.u32 s1, s0  }
0xbc: {  	s0 =	sadd.s32 $0x8F2B, s0  }
0xbd: {  	[sflag:s0] =	ssyncadd.remote.s32 $0x1  }
0xbe: {  	_ =	sfence.sel $0xFFFF  }
0xbf: {  	[dreg:$0x0] =	wrdreg $0xFFFFFFFF;
	(pc) =	sbr.abs _section_cstart, $3  }
0xc0: {  	[dreg:$0x1] =	wrdreg $0xFFFFFFFF  }
0xc1: {  	_ =	task.clear_ibuf [dreg:s7], $0x2FFFF;
	_ =	strace $0x9FFFFFFF  }
0xc2: {  	(tm) =	ssettm $0x7FFFFFFF  }
0xc3: {  	_ =	shalt  }
tec
execute0_lowered:
.L_overlay_start_1:
0x0: {  	(tag) =	ssettag $0x1  }
0x1: {  	s0 =	rddreg [dreg:$0x0]  }
0x2: {  	s1 =	srdreg.scid;
	s8 =	stileid.u32  }
0x3: {  	s2 =	rddreg [dreg:$0x1];
	s3 =	simm.s32 $0x0;
	s14 =	simm.s32 $0x4  }
0x4: {  	s16 =	simm.s32 $0x80;
	s18 =	simm.s32 $0x9C00;
	s20 =	simm.s32 $0xBC00  }
0x5: {  	s22 =	simm.s32 $0xDC00;
	s24 =	simm.s32 $0xFC00;
	s28 =	simm.s32 $0x11C00  }
0x6: {  	s30 =	simm.s32 $0x13C00;
	s15 =	simm.s32 $0x17C00;
	s17 =	simm.s32 $0x2  }
0x7: {  	s29 =	simm.s32 $0x3;
	s23 =	simm.s32 $0x0;
	s1 =	sand.u32 $0x1, s1  }
0x8: {  	s4 =	sshll.u32 s8, $0x1;
	[smem:$0x7FF] =	sst s3;
	s8 =	smul.u32 $0x1A0000, s8  }
0x9: {  	s4 =	sor.u32 s1, s4;
	s7 =	ssub.s32 $0x2, s1;
	s1 =	smul.u32 $0xD0000, s1  }
0xa: {  	_ =	strace $0x80000047;
	s5 =	smul.u32 $0x680, s4;
	s10 =	sshrl.u32 s7, $0x1  }
0xb: {  	s6 =	smul.u32 $0xD0000, s4;
	s4 =	sadd.s32 $0xF42C00, s0;
	s25 =	ssub.s32 s7, s10  }
0xc: {  	s1 =	sadd.s32 s1, s8;
	s9 =	sadd.s32 s5, s0;
	s0 =	sadd.s32 $0xD800, s0  }
0xd: {  	s26 =	sshrl.u32 s6, $0x3;
	s8 =	smax.u32 s25, $0x1;
	s31 =	sadd.s32 $0x18000, s1  }
0xe: {  	s12 =	sadd.s32 $0x10000, s1;
	s25 =	simm.s32 $0x1;
	s1 =	simm.s32 $0x15C00  }
0xf: {  	[dreg:$0x3] =	wrdreg s0;
	s5 =	sadd.s32 $0x800, s9;
	s7 =	sadd.s32 s2, s26  }
0x10: {  	s0 =	sshrl.u32 s31, $0x3;
	[dreg:$0x4] =	wrdreg s5;
	s9 =	sadd.s32 $0x1000, s7  }
0x11: {  	s10 =	sadd.s32 $0x18000, s7;
	s11 =	sadd.s32 $0x19000, s7;
	s19 =	sadd.s32 s0, s2  }
.LBB2_1:
0x12: {  	s0 =	rddreg [dreg:$0x4]  }
0x13: {  	[tilespmem:s3], [sflag:$0x4] =	stream.linear.gather [hbm4b:s0+s3], $0x3400, $0x38;
	[tilespmem:$0x19C00] =	vst v63  }
0x14: {  	_ =	swait.ge [sflag:s14], $0x3400  }
0x15: {  	[sflag:s14] =	ssyncset.done $0x0  }
0x16: {  	s5 =	simm.s32 $0x3400;
	s31 =	rddreg [dreg:$0x3];
	[sflag:s14] =	ssyncadd.s32 $0xFFFFCC00  }
0x17: {  	[tilespmem:s5], [sflag:$0x4] =	stream.linear.gather [hbm4b:s31+s3], $0x3400, $0x38;
	[tilespmem:$0x19C00] =	vst v63  }
0x18: {  	_ =	swait.ge [sflag:s14], $0x3400  }
0x19: {  	s13 =	simm.s32 $0x3420;
	[sflag:s14] =	ssyncset.done $0x0  }
0x1a: {  	s21 =	simm.s32 $0x6820;
	s0 =	simm.s32 $0xFFFFFFFC;
	[sflag:s14] =	ssyncadd.s32 $0xFFFFCC00  }
.LBB2_2:
0x1b: {  	v0 =	vld [tilespmem:s13+$0xFFFFFFE0];
	_ =	sdelay $0x7  }
0x1c: {  	v0 =	vld.idx.msk [tilespmem:v0+s3+$0x0], $0xffff;
	_ =	sdelay $0x4  }
0x1d: {  	[tilespmem:s21+$0xFFFFFFE0] =	vst v0  }
0x1e: {  	v0 =	vld [tilespmem:s13+$0xFFFFFFF0];
	_ =	sdelay $0x7  }
0x1f: {  	v0 =	vld.idx.msk [tilespmem:v0+s3+$0x0], $0xffff;
	_ =	sdelay $0x4  }
0x20: {  	[tilespmem:s21+$0xFFFFFFF0] =	vst v0  }
0x21: {  	v0 =	vld [tilespmem:s13+$0x0];
	_ =	sdelay $0x7  }
0x22: {  	v0 =	vld.idx.msk [tilespmem:v0+s3+$0x0], $0xffff;
	_ =	sdelay $0x4  }
0x23: {  	[tilespmem:s21+$0x0] =	vst v0  }
0x24: {  	v0 =	vld [tilespmem:s13+$0x10];
	_ =	sdelay $0x6  }
0x25: {  	s0 =	sadd.s32 $0x4, s0  }
0x26: {  	p0 =	slt.u32 s0, $0x33C;
	v0 =	vld.idx.msk [tilespmem:v0+s3+$0x0], $0xffff  }
.Ltmp0:
0x27: {  	_ = 	snop;
	(pc) =	sbr.rel @p0 .LBB2_2-.Ltmp0, $2  }
0x28: {  	_ =	sdelay $0x2  }
0x29: {  	s13 =	sadd.s32 $0x40, s13;
	[tilespmem:s21+$0x10] =	vst v0;
	s21 =	sadd.s32 $0x40, s21  }
0x2a: {  	s0 =	simm.s32 $0x6800  }
0x2b: {  	[tilespmem:s18], [sflag:$0x1] =	stream.indirect.gather [hbm4b:s4+s16], $0x40, s0, s16, $0xb8;
	[tilespmem:$0x19C00] =	vst v63  }
0x2c: {  	s26 =	simm.s32 $0x6880  }
0x2d: {  	[tilespmem:s20], [sflag:$0x1] =	stream.indirect.gather [hbm4b:s4+s16], $0x40, s26, s16, $0xb8;
	[tilespmem:$0x19C00] =	vst v63  }
0x2e: {  	s5 =	simm.s32 $0x6900  }
0x2f: {  	[tilespmem:s22], [sflag:$0x1] =	stream.indirect.gather [hbm4b:s4+s16], $0x40, s5, s16, $0xb8;
	[tilespmem:$0x19C00] =	vst v63  }
0x30: {  	s6 =	simm.s32 $0x6980  }
0x31: {  	[tilespmem:s24], [sflag:$0x1] =	stream.indirect.gather [hbm4b:s4+s16], $0x40, s6, s16, $0xb8;
	[tilespmem:$0x19C00] =	vst v63  }
0x32: {  	_ =	swait.ge [sflag:s25], $0x2000  }
0x33: {  	[sflag:s25] =	ssyncset.done $0x0  }
0x34: {  	[sflag:s25] =	ssyncadd.s32 $0xFFFFE000  }
0x35: {  	_ =	swait.ge [sflag:s25], $0x2000  }
0x36: {  	[sflag:s25] =	ssyncset.done $0x0  }
0x37: {  	[sflag:s25] =	ssyncadd.s32 $0xFFFFE000  }
0x38: {  	_ =	swait.ge [sflag:s25], $0x2000  }
0x39: {  	[sflag:s25] =	ssyncset.done $0x0  }
0x3a: {  	[sflag:s25] =	ssyncadd.s32 $0xFFFFE000  }
0x3b: {  	_ =	swait.ge [sflag:s25], $0x2000  }
0x3c: {  	[sflag:s25] =	ssyncset.done $0x0  }
0x3d: {  	s13 =	simm.s32 $0x6A00;
	[sflag:s25] =	ssyncadd.s32 $0xFFFFE000  }
0x3e: {  	[tilespmem:s28], [sflag:$0x1] =	stream.indirect.gather [hbm4b:s4+s16], $0x40, s13, s16, $0xb8;
	[tilespmem:$0x19C00] =	vst v63  }
0x3f: {  	s21 =	simm.s32 $0x6A80  }
0x40: {  	[tilespmem:s30], [sflag:$0x1] =	stream.indirect.gather [hbm4b:s4+s16], $0x40, s21, s16, $0xb8;
	[tilespmem:$0x19C00] =	vst v63  }
0x41: {  	s26 =	simm.s32 $0x6B00  }
0x42: {  	[tilespmem:s1], [sflag:$0x1] =	stream.indirect.gather [hbm4b:s4+s16], $0x40, s26, s16, $0xb8;
	[tilespmem:$0x19C00] =	vst v63  }
0x43: {  	s5 =	simm.s32 $0x6B80  }
0x44: {  	[tilespmem:s15], [sflag:$0x1] =	stream.indirect.gather [hbm4b:s4+s16], $0x40, s5, s16, $0xb8;
	[tilespmem:$0x19C00] =	vst v63  }
0x45: {  	s6 =	simm.s32 $0x0  }
0x46: {  	[hbm4b:s7+s6] =	stream.linear.scatter [tilespmem:s18], [sflag:$0x2], $0x8000, $0x38;
	[tilespmem:$0x19C00] =	vst v63  }
0x47: {  	_ =	swait.ge [sflag:s25], $0x2000  }
0x48: {  	[sflag:s25] =	ssyncset.done $0x0  }
0x49: {  	[sflag:s25] =	ssyncadd.s32 $0xFFFFE000  }
0x4a: {  	_ =	swait.ge [sflag:s25], $0x2000  }
0x4b: {  	[sflag:s25] =	ssyncset.done $0x0  }
0x4c: {  	[sflag:s25] =	ssyncadd.s32 $0xFFFFE000  }
0x4d: {  	_ =	swait.ge [sflag:s25], $0x2000  }
0x4e: {  	[sflag:s25] =	ssyncset.done $0x0  }
0x4f: {  	[sflag:s25] =	ssyncadd.s32 $0xFFFFE000  }
0x50: {  	_ =	swait.ge [sflag:s25], $0x2000  }
0x51: {  	[sflag:s25] =	ssyncset.done $0x0  }
0x52: {  	[sflag:s25] =	ssyncadd.s32 $0xFFFFE000  }
0x53: {  	_ =	swait.ge [sflag:s17], $0x8000  }
0x54: {  	[sflag:s17] =	ssyncset.done $0x0  }
0x55: {  	s5 =	simm.s32 $0x6C00;
	[sflag:s17] =	ssyncadd.s32 $0xFFFF8000  }
0x56: {  	[tilespmem:s18], [sflag:$0x1] =	stream.indirect.gather [hbm4b:s4+s16], $0x40, s5, s16, $0xb8;
	[tilespmem:$0x19C00] =	vst v63  }
0x57: {  	s13 =	simm.s32 $0x6C80  }
0x58: {  	[tilespmem:s20], [sflag:$0x1] =	stream.indirect.gather [hbm4b:s4+s16], $0x40, s13, s16, $0xb8;
	[tilespmem:$0x19C00] =	vst v63  }
0x59: {  	s21 =	simm.s32 $0x6D00  }
0x5a: {  	[tilespmem:s22], [sflag:$0x1] =	stream.indirect.gather [hbm4b:s4+s16], $0x40, s21, s16, $0xb8;
	[tilespmem:$0x19C00] =	vst v63  }
0x5b: {  	s26 =	simm.s32 $0x6D80  }
0x5c: {  	[tilespmem:s24], [sflag:$0x1] =	stream.indirect.gather [hbm4b:s4+s16], $0x40, s26, s16, $0xb8;
	[tilespmem:$0x19C00] =	vst v63  }
0x5d: {  	_ = 	snop  }
0x5e: {  	[hbm4b:s9+s6] =	stream.linear.scatter [tilespmem:s28], [sflag:$0x3], $0x8000, $0x38;
	[tilespmem:$0x19C00] =	vst v63  }
0x5f: {  	_ =	swait.ge [sflag:s25], $0x2000  }
0x60: {  	[sflag:s25] =	ssyncset.done $0x0  }
0x61: {  	[sflag:s25] =	ssyncadd.s32 $0xFFFFE000  }
0x62: {  	_ =	swait.ge [sflag:s25], $0x2000  }
0x63: {  	[sflag:s25] =	ssyncset.done $0x0  }
0x64: {  	[sflag:s25] =	ssyncadd.s32 $0xFFFFE000  }
0x65: {  	_ =	swait.ge [sflag:s25], $0x2000  }
0x66: {  	[sflag:s25] =	ssyncset.done $0x0  }
0x67: {  	[sflag:s25] =	ssyncadd.s32 $0xFFFFE000  }
0x68: {  	_ =	swait.ge [sflag:s25], $0x2000  }
0x69: {  	[sflag:s25] =	ssyncset.done $0x0  }
0x6a: {  	[sflag:s25] =	ssyncadd.s32 $0xFFFFE000  }
0x6b: {  	_ =	swait.ge [sflag:s29], $0x8000  }
0x6c: {  	[sflag:s29] =	ssyncset.done $0x0  }
0x6d: {  	s6 =	simm.s32 $0x6E00;
	[sflag:s29] =	ssyncadd.s32 $0xFFFF8000  }
0x6e: {  	[tilespmem:s28], [sflag:$0x1] =	stream.indirect.gather [hbm4b:s4+s16], $0x40, s6, s16, $0xb8;
	[tilespmem:$0x19C00] =	vst v63  }
0x6f: {  	s13 =	simm.s32 $0x6E80  }
0x70: {  	[tilespmem:s30], [sflag:$0x1] =	stream.indirect.gather [hbm4b:s4+s16], $0x40, s13, s16, $0xb8;
	[tilespmem:$0x19C00] =	vst v63  }
0x71: {  	s21 =	simm.s32 $0x6F00  }
0x72: {  	[tilespmem:s1], [sflag:$0x1] =	stream.indirect.gather [hbm4b:s4+s16], $0x40, s21, s16, $0xb8;
	[tilespmem:$0x19C00] =	vst v63  }
0x73: {  	s26 =	simm.s32 $0x6F80;
	s13 =	sshrl.u32 s12, $0x3  }
0x74: {  	[tilespmem:s15], [sflag:$0x1] =	stream.indirect.gather [hbm4b:s4+s16], $0x40, s26, s16, $0xb8;
	[tilespmem:$0x19C00] =	vst v63  }
0x75: {  	s5 =	sadd.s32 s2, s13  }
0x76: {  	[hbm4b:s5+s3] =	stream.linear.scatter [tilespmem:s18], [sflag:$0x2], $0x8000, $0x38;
	[tilespmem:$0x19C00] =	vst v63  }
0x77: {  	_ =	swait.ge [sflag:s25], $0x2000  }
0x78: {  	[sflag:s25] =	ssyncset.done $0x0  }
0x79: {  	[sflag:s25] =	ssyncadd.s32 $0xFFFFE000  }
0x7a: {  	_ =	swait.ge [sflag:s25], $0x2000  }
0x7b: {  	[sflag:s25] =	ssyncset.done $0x0  }
0x7c: {  	[sflag:s25] =	ssyncadd.s32 $0xFFFFE000  }
0x7d: {  	_ =	swait.ge [sflag:s25], $0x2000  }
0x7e: {  	[sflag:s25] =	ssyncset.done $0x0  }
0x7f: {  	[sflag:s25] =	ssyncadd.s32 $0xFFFFE000  }
0x80: {  	_ =	swait.ge [sflag:s25], $0x2000  }
0x81: {  	[sflag:s25] =	ssyncset.done $0x0  }
0x82: {  	[sflag:s25] =	ssyncadd.s32 $0xFFFFE000  }
0x83: {  	_ =	swait.ge [sflag:s17], $0x8000  }
0x84: {  	[sflag:s17] =	ssyncset.done $0x0  }
0x85: {  	s6 =	simm.s32 $0x7000;
	[sflag:s17] =	ssyncadd.s32 $0xFFFF8000  }
0x86: {  	[tilespmem:s18], [sflag:$0x1] =	stream.indirect.gather [hbm4b:s4+s16], $0x40, s6, s16, $0xb8;
	[tilespmem:$0x19C00] =	vst v63  }
0x87: {  	s13 =	simm.s32 $0x7080  }
0x88: {  	[tilespmem:s20], [sflag:$0x1] =	stream.indirect.gather [hbm4b:s4+s16], $0x40, s13, s16, $0xb8;
	[tilespmem:$0x19C00] =	vst v63  }
0x89: {  	s21 =	simm.s32 $0x7100  }
0x8a: {  	[tilespmem:s22], [sflag:$0x1] =	stream.indirect.gather [hbm4b:s4+s16], $0x40, s21, s16, $0xb8;
	[tilespmem:$0x19C00] =	vst v63  }
0x8b: {  	s31 =	sadd.s32 $0x10000, s12;
	s26 =	simm.s32 $0x7180  }
0x8c: {  	[tilespmem:s24], [sflag:$0x1] =	stream.indirect.gather [hbm4b:s4+s16], $0x40, s26, s16, $0xb8;
	[tilespmem:$0x19C00] =	vst v63  }
0x8d: {  	s0 =	sadd.s32 $0x2000, s19;
	s13 =	smov.u32 s19;
	s26 =	simm.s32 $0x1000  }
.LBB2_4:
0x8e: {  	[hbm4b:s13+s3] =	stream.linear.scatter [tilespmem:s28], [sflag:$0x3], $0x8000, $0x38;
	[tilespmem:$0x19C00] =	vst v63  }
0x8f: {  	s21 =	smov.u32 s26;
	s13 =	smov.u32 s0  }
0x90: {  	p0 =	sne.s32 s26, $0xA000;
	s26 =	sadd.s32 $0x1000, s26;
	_ =	swait.ge [sflag:s25], $0x2000  }
0x91: {  	[sflag:s25] =	ssyncset.done $0x0  }
0x92: {  	[sflag:s25] =	ssyncadd.s32 $0xFFFFE000  }
0x93: {  	_ =	swait.ge [sflag:s25], $0x2000  }
0x94: {  	[sflag:s25] =	ssyncset.done $0x0  }
0x95: {  	[sflag:s25] =	ssyncadd.s32 $0xFFFFE000  }
0x96: {  	_ =	swait.ge [sflag:s25], $0x2000  }
0x97: {  	[sflag:s25] =	ssyncset.done $0x0  }
0x98: {  	[sflag:s25] =	ssyncadd.s32 $0xFFFFE000  }
0x99: {  	_ =	swait.ge [sflag:s25], $0x2000  }
0x9a: {  	[sflag:s25] =	ssyncset.done $0x0  }
0x9b: {  	[sflag:s25] =	ssyncadd.s32 $0xFFFFE000  }
0x9c: {  	_ =	swait.ge [sflag:s29], $0x8000  }
0x9d: {  	s21 =	sshra.s32 s21, $0x2;
	[sflag:s29] =	ssyncset.done $0x0  }
0x9e: {  	s5 =	sadd.s32 $0x6E00, s21;
	[sflag:s29] =	ssyncadd.s32 $0xFFFF8000  }
0x9f: {  	[tilespmem:s28], [sflag:$0x1] =	stream.indirect.gather [hbm4b:s4+s16], $0x40, s5, s16, $0xb8;
	[tilespmem:$0x19C00] =	vst v63  }
0xa0: {  	s5 =	sadd.s32 $0x6E80, s21  }
0xa1: {  	[tilespmem:s30], [sflag:$0x1] =	stream.indirect.gather [hbm4b:s4+s16], $0x40, s5, s16, $0xb8;
	[tilespmem:$0x19C00] =	vst v63  }
0xa2: {  	s5 =	sadd.s32 $0x6F00, s21  }
0xa3: {  	[tilespmem:s1], [sflag:$0x1] =	stream.indirect.gather [hbm4b:s4+s16], $0x40, s5, s16, $0xb8;
	[tilespmem:$0x19C00] =	vst v63  }
0xa4: {  	s6 =	sshrl.u32 s31, $0x3;
	s5 =	sadd.s32 $0x6F80, s21  }
0xa5: {  	[tilespmem:s15], [sflag:$0x1] =	stream.indirect.gather [hbm4b:s4+s16], $0x40, s5, s16, $0xb8;
	[tilespmem:$0x19C00] =	vst v63  }
0xa6: {  	s5 =	sadd.s32 s2, s6  }
0xa7: {  	[hbm4b:s5+s3] =	stream.linear.scatter [tilespmem:s18], [sflag:$0x2], $0x8000, $0x38;
	[tilespmem:$0x19C00] =	vst v63  }
0xa8: {  	_ =	swait.ge [sflag:s25], $0x2000  }
0xa9: {  	[sflag:s25] =	ssyncset.done $0x0  }
0xaa: {  	[sflag:s25] =	ssyncadd.s32 $0xFFFFE000  }
0xab: {  	_ =	swait.ge [sflag:s25], $0x2000  }
0xac: {  	[sflag:s25] =	ssyncset.done $0x0  }
0xad: {  	[sflag:s25] =	ssyncadd.s32 $0xFFFFE000  }
0xae: {  	_ =	swait.ge [sflag:s25], $0x2000  }
0xaf: {  	[sflag:s25] =	ssyncset.done $0x0  }
0xb0: {  	[sflag:s25] =	ssyncadd.s32 $0xFFFFE000  }
0xb1: {  	_ =	swait.ge [sflag:s25], $0x2000  }
0xb2: {  	[sflag:s25] =	ssyncset.done $0x0  }
0xb3: {  	[sflag:s25] =	ssyncadd.s32 $0xFFFFE000  }
0xb4: {  	_ =	swait.ge [sflag:s17], $0x8000  }
0xb5: {  	[sflag:s17] =	ssyncset.done $0x0  }
0xb6: {  	s5 =	sadd.s32 $0x7000, s21;
	[sflag:s17] =	ssyncadd.s32 $0xFFFF8000  }
0xb7: {  	[tilespmem:s18], [sflag:$0x1] =	stream.indirect.gather [hbm4b:s4+s16], $0x40, s5, s16, $0xb8;
	[tilespmem:$0x19C00] =	vst v63  }
0xb8: {  	s5 =	sadd.s32 $0x7080, s21  }
0xb9: {  	[tilespmem:s20], [sflag:$0x1] =	stream.indirect.gather [hbm4b:s4+s16], $0x40, s5, s16, $0xb8;
	[tilespmem:$0x19C00] =	vst v63  }
.Ltmp1:
0xba: {  	s5 =	sadd.s32 $0x7100, s21;
	(pc) =	sbr.rel @p0 .LBB2_4-.Ltmp1, $4  }
0xbb: {  	[tilespmem:s22], [sflag:$0x1] =	stream.indirect.gather [hbm4b:s4+s16], $0x40, s5, s16, $0xb8;
	[tilespmem:$0x19C00] =	vst v63  }
0xbc: {  	s5 =	sadd.s32 $0x7180, s21  }
0xbd: {  	[tilespmem:s24], [sflag:$0x1] =	stream.indirect.gather [hbm4b:s4+s16], $0x40, s5, s16, $0xb8;
	[tilespmem:$0x19C00] =	vst v63  }
0xbe: {  	s31 =	sadd.s32 $0x10000, s31;
	s0 =	sadd.s32 $0x2000, s0  }
0xbf: {  	[hbm4b:s13+s3] =	stream.linear.scatter [tilespmem:s28], [sflag:$0x3], $0x8000, $0x38;
	[tilespmem:$0x19C00] =	vst v63  }
0xc0: {  	_ =	swait.ge [sflag:s25], $0x2000  }
0xc1: {  	[sflag:s25] =	ssyncset.done $0x0  }
0xc2: {  	[sflag:s25] =	ssyncadd.s32 $0xFFFFE000  }
0xc3: {  	_ =	swait.ge [sflag:s25], $0x2000  }
0xc4: {  	[sflag:s25] =	ssyncset.done $0x0  }
0xc5: {  	[sflag:s25] =	ssyncadd.s32 $0xFFFFE000  }
0xc6: {  	_ =	swait.ge [sflag:s25], $0x2000  }
0xc7: {  	[sflag:s25] =	ssyncset.done $0x0  }
0xc8: {  	[sflag:s25] =	ssyncadd.s32 $0xFFFFE000  }
0xc9: {  	_ =	swait.ge [sflag:s25], $0x2000  }
0xca: {  	[sflag:s25] =	ssyncset.done $0x0  }
0xcb: {  	[sflag:s25] =	ssyncadd.s32 $0xFFFFE000  }
0xcc: {  	_ =	swait.ge [sflag:s29], $0x8000  }
0xcd: {  	[sflag:s29] =	ssyncset.done $0x0  }
0xce: {  	s0 =	simm.s32 $0x9A00;
	[sflag:s29] =	ssyncadd.s32 $0xFFFF8000  }
0xcf: {  	[tilespmem:s28], [sflag:$0x1] =	stream.indirect.gather [hbm4b:s4+s16], $0x40, s0, s16, $0xb8;
	[tilespmem:$0x19C00] =	vst v63  }
0xd0: {  	s21 =	simm.s32 $0x9A80  }
0xd1: {  	[tilespmem:s30], [sflag:$0x1] =	stream.indirect.gather [hbm4b:s4+s16], $0x40, s21, s16, $0xb8;
	[tilespmem:$0x19C00] =	vst v63  }
0xd2: {  	s26 =	simm.s32 $0x9B00  }
0xd3: {  	[tilespmem:s1], [sflag:$0x1] =	stream.indirect.gather [hbm4b:s4+s16], $0x40, s26, s16, $0xb8;
	[tilespmem:$0x19C00] =	vst v63  }
0xd4: {  	s31 =	simm.s32 $0x9B80  }
0xd5: {  	[tilespmem:s15], [sflag:$0x1] =	stream.indirect.gather [hbm4b:s4+s16], $0x40, s31, s16, $0xb8;
	[tilespmem:$0x19C00] =	vst v63  }
0xd6: {  	_ = 	snop  }
0xd7: {  	[hbm4b:s10+s3] =	stream.linear.scatter [tilespmem:s18], [sflag:$0x2], $0x8000, $0x38;
	[tilespmem:$0x19C00] =	vst v63  }
0xd8: {  	_ =	swait.ge [sflag:s25], $0x2000  }
0xd9: {  	[sflag:s25] =	ssyncset.done $0x0  }
0xda: {  	[sflag:s25] =	ssyncadd.s32 $0xFFFFE000  }
0xdb: {  	_ =	swait.ge [sflag:s25], $0x2000  }
0xdc: {  	[sflag:s25] =	ssyncset.done $0x0  }
0xdd: {  	[sflag:s25] =	ssyncadd.s32 $0xFFFFE000  }
0xde: {  	_ =	swait.ge [sflag:s25], $0x2000  }
0xdf: {  	[sflag:s25] =	ssyncset.done $0x0  }
0xe0: {  	[sflag:s25] =	ssyncadd.s32 $0xFFFFE000  }
0xe1: {  	_ =	swait.ge [sflag:s25], $0x2000  }
0xe2: {  	[sflag:s25] =	ssyncset.done $0x0  }
0xe3: {  	s23 =	sadd.s32 $0x1, s23;
	[sflag:s25] =	ssyncadd.s32 $0xFFFFE000  }
0xe4: {  	[hbm4b:s11+s3] =	stream.linear.scatter [tilespmem:s28], [sflag:$0x3], $0x8000, $0x38;
	[tilespmem:$0x19C00] =	vst v63  }
0xe5: {  	p0 =	sne.s32 s23, s8;
	_ =	swait.ge [sflag:s17], $0x8000  }
.Ltmp2:
0xe6: {  	[sflag:s17] =	ssyncset.done $0x0;
	(pc) =	sbr.rel @p0 .LBB2_1-.Ltmp2, $4  }
0xe7: {  	[sflag:s17] =	ssyncadd.s32 $0xFFFF8000  }
0xe8: {  	_ =	swait.ge [sflag:s29], $0x8000  }
0xe9: {  	[sflag:s29] =	ssyncset.done $0x0  }
0xea: {  	[sflag:s29] =	ssyncadd.s32 $0xFFFF8000  }
0xeb: {  	_ =	sfence.sel $0x180000  }
0xec: {  	[bflag:$0x0] =	sbarrier.arrive $0xFFFF  }
0xed: {  	_ =	strace $0x90000047  }
0xee: {  	s0 =	stileid.u32;
	[bflag:$0x2] =	sbarrier.arrive $0xFFFF  }
0xef: {  	p0 =	sne.s32 s0, $0x0;
	s0 =	rddreg [dreg:$0x2]  }
0xf0: {  	s0 =	sadd.s32 @!p0 $0x100000, s0  }
0xf1: {  	[sflag:s0] =	ssyncadd.tile.s32 @!p0 $0x1;
	_ =	shalt  }
.Lfunc_end2:
_tile_overlayer_lowered:
.L_overlay_start_2:
0xf2: {  	(tag) =	ssettag $0x2  }
0xf3: {  	s0 =	rddreg [dreg:$0x0];
	s2 =	stileid.u32  }
0xf4: {  	s1 =	rddreg [dreg:$0x1];
	p0 =	sne.s32 s2, $0x0  }
0xf5: {  	s3 =	rddreg [dreg:$0x2];
	[bflag:$0x3] =	sbarrier.arrive $0xFFFF;
	s2 =	simm.s32 @!p0 $0x1C04  }
0xf6: {  	[timem:s3], [sflag:s2] =	dma.local @!p0 [hbm:s0], s1  }
0xf7: {  	s0 =	simm.s32 @!p0 $0x4  }
0xf8: {  	_ =	swait.ge @!p0 [sflag:s0], s1  }
0xf9: {  	s1 =	ssub.s32 @!p0 $0x0, s1;
	[sflag:s0] =	ssyncset.done @!p0 $0x0  }
0xfa: {  	[sflag:s0] =	ssyncadd.s32 @!p0 s1  }
0xfb: {  	[bflag:$0x3] =	sbarrier.arrive $0xFFFF  }
0xfc: {  	_ =	shalt  }

</sc_bundles>
